<compile_context>
chip_gen: v7x
topology: tpu7x:2x2x1
jax: 0.10.2.dev20260603
libtpu: 0.0.44.dev20260713+nightly
codegen_flags: <defaults>
</compile_context>

<pallas_src>
import functools

import jax
import jax.numpy as jnp
from jax import lax
from jax.experimental import pallas as pl
from jax.experimental.pallas import tpu as pltpu
from jax.experimental.pallas import tpu_sc as plsc

B, N, D = 4, 8192, 2048
TC_B = 2
SC_B = B - TC_B

NC, NS, L = 2, 16, 16
NSA = 8 * SC_B
NW = NC * NSA
COLS_PER_W = (SC_B * D) // NW
CW = COLS_PER_W
G = CW // L
RB = 256
NRC = N // RB
UNROLL = 4

_mesh = plsc.VectorSubcoreMesh(core_axis_name="c", subcore_axis_name="s")


@functools.partial(
    pl.kernel,
    out_type=jax.ShapeDtypeStruct((SC_B * D,), jnp.int32),
    mesh=_mesh,
    scratch_types=[
        pltpu.VMEM((RB, CW), jnp.float32),
        pltpu.VMEM((RB, CW), jnp.float32),
        pltpu.VMEM((COLS_PER_W,), jnp.int32),
        pltpu.SemaphoreType.DMA,
        pltpu.SemaphoreType.DMA,
    ],
)
def _argmin_sc(x_hbm, out_hbm, buf0, buf1, outv, sem0, sem1):
    sid = lax.axis_index("s")
    wid = lax.axis_index("c") * NSA + sid
    base = wid * COLS_PER_W
    b = TC_B + base // D
    j0 = base % D

    bufs = (buf0, buf1)
    sems = (sem0, sem1)

    def copy(rc, ph):
        return pltpu.make_async_copy(
            x_hbm.at[b, pl.ds(rc * RB, RB), pl.ds(j0, CW)],
            bufs[ph], sems[ph])

    def compute(buf, r0, carry):
        def row_body(r, carry2):
            mv, mi = carry2
            rv = jnp.full((L,), r0 + r, jnp.int32)
            mv2, mi2 = [], []
            for g in range(G):
                v = buf[r, g * L:(g + 1) * L]
                p = v < mv[g]
                mv2.append(jnp.minimum(v, mv[g]))
                mi2.append(jnp.where(p, rv, mi[g]))
            return (tuple(mv2), tuple(mi2))

        return lax.fori_loop(0, RB, row_body, carry, unroll=UNROLL)

    @pl.when(sid < NSA)
    def _():
        copy(0, 0).start()

    def pair_body(i, carry):
        rc0 = 2 * i
        copy(rc0 + 1, 1).start()
        copy(rc0, 0).wait()
        carry = compute(buf0, rc0 * RB, carry)

        @pl.when(rc0 + 2 < NRC)
        def _():
            copy(rc0 + 2, 0).start()

        copy(rc0 + 1, 1).wait()
        carry = compute(buf1, (rc0 + 1) * RB, carry)
        return carry

    init = (
        tuple(jnp.full((L,), jnp.inf, jnp.float32) for _ in range(G)),
        tuple(jnp.zeros((L,), jnp.int32) for _ in range(G)),
    )
    @pl.when(sid < NSA)
    def _():
        _, minis = lax.fori_loop(0, NRC // 2, pair_body, init)
        for g in range(G):
            outv[g * L:(g + 1) * L] = minis[g]
        pltpu.sync_copy(outv, out_hbm.at[pl.ds(base, COLS_PER_W)])


RC = 512
NRC_TC = N // RC
RCH = 16


def _argmin_tc_body(x_ref, o_ref, mv_ref, mi_ref, iota_ref):
    b = pl.program_id(0)
    i = pl.program_id(1)

    @pl.when(jnp.logical_and(b == 0, i == 0))
    def _():
        iota_ref[...] = lax.broadcasted_iota(
            jnp.int32, (RC, D), 0).astype(jnp.float32)

    @pl.when(i == 0)
    def _():
        mv_ref[...] = jnp.full((1, D), jnp.inf, jnp.float32)
        mi_ref[...] = jnp.zeros((1, D), jnp.float32)

    xb = x_ref[0]
    cm = jnp.min(xb, axis=0, keepdims=True)
    big = jnp.float32(2 * N)
    ci = jnp.full((1, D), big, jnp.float32)
    for c in range(RC // RCH):
        xc = xb[c * RCH:(c + 1) * RCH]
        ic = iota_ref[c * RCH:(c + 1) * RCH]
        cic = jnp.min(jnp.where(xc == cm, ic, big), axis=0, keepdims=True)
        ci = jnp.minimum(ci, cic)
    ci = ci + jnp.float32(1.0) * (i * RC)
    mv = mv_ref[...]
    p = cm < mv
    mv_ref[...] = jnp.minimum(cm, mv)
    mi_ref[...] = jnp.where(p, ci, mi_ref[...])

    @pl.when(i == NRC_TC - 1)
    def _():
        o_ref[...] = mi_ref[...].astype(jnp.int32).reshape(1, 1, D)


_argmin_tc = pl.pallas_call(
    _argmin_tc_body,
    grid=(TC_B, NRC_TC),
    in_specs=[pl.BlockSpec((1, RC, D), lambda b, i: (b, i, 0))],
    out_specs=pl.BlockSpec((1, 1, D), lambda b, i: (b, 0, 0)),
    out_shape=jax.ShapeDtypeStruct((TC_B, 1, D), jnp.int32),
    scratch_shapes=[
        pltpu.VMEM((1, D), jnp.float32),
        pltpu.VMEM((1, D), jnp.float32),
        pltpu.VMEM((RC, D), jnp.float32),
    ],
)


def kernel(x):
    sc_out = _argmin_sc(x).reshape(SC_B, D)
    tc_out = _argmin_tc(x).reshape(TC_B, D)
    out = jnp.concatenate([tc_out, sc_out], axis=0)
    return out.astype(jnp.int64)

# --- scband reference (transcript-rebuilt; emitter-appended) ---
"""Pipeline reference for scband-model-new-17514876633276 (READ-ONLY COPY).

The authoritative reference and input builder live on the scoring server;
editing this copy changes nothing except your own understanding.
"""

import jax, jax.numpy as jnp
import numpy as np

def setup_inputs(seed: int = 0) -> dict:
    key = jax.random.key(seed)
    x = jax.random.normal(key, (4, 8192, 2048), dtype=jnp.float32)
    return {"x": x}

def reference(x) -> jnp.ndarray:
    # Faithful translation of ModelNew.forward with dim=1 on a 3D tensor:
    # the custom CUDA kernel computes argmin along dim 1, producing int64 indices
    # of shape (dim0, dim2). jnp.argmin matches torch.argmin tie-breaking (first min).
    return jnp.argmin(x, axis=1).astype(jnp.int64)

if __name__ == "__main__":
    import jax
    _d = setup_inputs()
    print(jax.jit(kernel)(*tuple(_d.values())))

</pallas_src>

<mosaic_0001>
#map = affine_map<(d0, d1) -> (0, 0, 0)>
#map1 = affine_map<(d0, d1) -> (0)>
module attributes {stable_mosaic.version = 14 : i64} {
  func.func @_argmin_sc(%arg0: i32, %arg1: i32, %arg2: memref<4x8192x2048xf32, #tpu.memory_space<hbm>>, %arg3: memref<4096xi32, #tpu.memory_space<hbm>>, %arg4: memref<256x128xf32, #tpu.memory_space<vmem>>, %arg5: memref<256x128xf32, #tpu.memory_space<vmem>>, %arg6: memref<128xi32, #tpu.memory_space<vmem>>, %arg7: memref<!tpu.dma_semaphore, #tpu.memory_space<semaphore_mem>>, %arg8: memref<!tpu.dma_semaphore, #tpu.memory_space<semaphore_mem>>) attributes {dimension_semantics = [#tpu.dimension_semantics<core_parallel>, #tpu.dimension_semantics<subcore_parallel>], iteration_bounds = array<i64: 2, 16>, scalar_prefetch = 0 : i64, scratch_operands = 5 : i64, tpu.core_type = #tpu.core_type<sc_vector_subcore>, window_params = [{transform_indices = #map}, {transform_indices = #map1}]} {
    %mul3A = arith.constant 16 : i32
    %mul3A_0 = arith.muli %arg0, %mul3A : i32
    %add3A = arith.addi %mul3A_0, %arg1 : i32
    %mul3A_1 = arith.constant 128 : i32
    %mul3A_2 = arith.muli %add3A, %mul3A_1 : i32
    %jit3A = arith.constant 2048 : i32
    %div3A = arith.divsi %mul3A_2, %jit3A : i32
    %sign3A = arith.constant 0 : i32
    %sign3A_3 = arith.cmpi sgt, %mul3A_2, %sign3A : i32
    %sign3A_4 = arith.extui %sign3A_3 : i1 to i32
    %sign3A_5 = arith.constant 0 : i32
    %sign3A_6 = arith.cmpi slt, %mul3A_2, %sign3A_5 : i32
    %sign3A_7 = arith.extui %sign3A_6 : i1 to i32
    %sign3A_8 = arith.subi %sign3A_4, %sign3A_7 : i32
    %sign3A_9 = arith.constant 0 : i32
    %sign3A_10 = arith.cmpi sgt, %jit3A, %sign3A_9 : i32
    %sign3A_11 = arith.extui %sign3A_10 : i1 to i32
    %sign3A_12 = arith.constant 0 : i32
    %sign3A_13 = arith.cmpi slt, %jit3A, %sign3A_12 : i32
    %sign3A_14 = arith.extui %sign3A_13 : i1 to i32
    %sign3A_15 = arith.subi %sign3A_11, %sign3A_14 : i32
    %ne3A = arith.cmpi ne, %sign3A_8, %sign3A_15 : i32
    %rem3A = arith.remsi %mul3A_2, %jit3A : i32
    %ne3A_16 = arith.constant 0 : i32
    %ne3A_17 = arith.cmpi ne, %rem3A, %ne3A_16 : i32
    %and3A = arith.andi %ne3A, %ne3A_17 : i1
    %sub3A = arith.constant 1 : i32
    %sub3A_18 = arith.subi %div3A, %sub3A : i32
    %select_n3A = arith.select %and3A, %sub3A_18, %div3A : i32
    %add3A_19 = arith.constant 2 : i32
    %add3A_20 = arith.addi %add3A_19, %select_n3A : i32
    %jit3A_21 = arith.constant 2048 : i32
    %eq3A = arith.constant 0 : i32
    %eq3A_22 = arith.cmpi eq, %jit3A_21, %eq3A : i32
    %jit3A_23 = arith.constant 1 : i32
    %select_n3A_24 = arith.select %eq3A_22, %jit3A_23, %jit3A_21 : i32
    %rem3A_25 = arith.remsi %mul3A_2, %select_n3A_24 : i32
    %ne3A_26 = arith.constant 0 : i32
    %ne3A_27 = arith.cmpi ne, %rem3A_25, %ne3A_26 : i32
    %lt3A = arith.constant 0 : i32
    %lt3A_28 = arith.cmpi slt, %rem3A_25, %lt3A : i32
    %lt3A_29 = arith.constant 0 : i32
    %lt3A_30 = arith.cmpi slt, %select_n3A_24, %lt3A_29 : i32
    %ne3A_31 = arith.xori %lt3A_28, %lt3A_30 : i1
    %and3A_32 = arith.andi %ne3A_31, %ne3A_27 : i1
    %add3A_33 = arith.addi %rem3A_25, %select_n3A_24 : i32
    %select_n3A_34 = arith.select %and3A_32, %add3A_33, %rem3A_25 : i32
    %lt3A_35 = arith.constant 16 : i32
    %lt3A_36 = arith.cmpi slt, %arg1, %lt3A_35 : i32
    %convert_element_type3A = arith.extui %lt3A_36 : i1 to i32
    %cond3A = arith.constant 0 : i32
    %cond3A_37 = arith.cmpi ne, %convert_element_type3A, %cond3A : i32
    scf.if %cond3A_37 {
      %dma_start3A = arith.constant 0 : i32
      %dma_start3A_74 = tpu.memref_slice %arg2[%add3A_20, %dma_start3A, %select_n3A_34] : memref<4x8192x2048xf32, #tpu.memory_space<hbm>> -> memref<1x256x128xf32, #tpu.memory_space<hbm>>
      %dma_start3A_75 = tpu.memref_squeeze %dma_start3A_74 : memref<1x256x128xf32, #tpu.memory_space<hbm>> -> memref<256x128xf32, #tpu.memory_space<hbm>>
      %dma_start3A_76 = arith.constant 0 : i32
      %dma_start3A_77 = tpu.memref_slice %arg2[%add3A_20, %dma_start3A_76, %select_n3A_34] : memref<4x8192x2048xf32, #tpu.memory_space<hbm>> -> memref<1x256x128xf32, #tpu.memory_space<hbm>>
      %dma_start3A_78 = tpu.memref_squeeze %dma_start3A_77 : memref<1x256x128xf32, #tpu.memory_space<hbm>> -> memref<256x128xf32, #tpu.memory_space<hbm>>
      tpu.enqueue_dma source(%dma_start3A_78 : memref<256x128xf32, #tpu.memory_space<hbm>>) target(%arg4 : memref<256x128xf32, #tpu.memory_space<vmem>>) target_semaphore(%arg7 : memref<!tpu.dma_semaphore, #tpu.memory_space<semaphore_mem>>)
    } else {
    }
    %broadcast_in_dim3A = arith.constant 0x7F800000 : f32
    %broadcast_in_dim3A_38 = vector.broadcast %broadcast_in_dim3A : f32 to vector<16xf32>
    %broadcast_in_dim3A_39 = arith.constant 0x7F800000 : f32
    %broadcast_in_dim3A_40 = vector.broadcast %broadcast_in_dim3A_39 : f32 to vector<16xf32>
    %broadcast_in_dim3A_41 = arith.constant 0x7F800000 : f32
    %broadcast_in_dim3A_42 = vector.broadcast %broadcast_in_dim3A_41 : f32 to vector<16xf32>
    %broadcast_in_dim3A_43 = arith.constant 0x7F800000 : f32
    %broadcast_in_dim3A_44 = vector.broadcast %broadcast_in_dim3A_43 : f32 to vector<16xf32>
    %broadcast_in_dim3A_45 = arith.constant 0x7F800000 : f32
    %broadcast_in_dim3A_46 = vector.broadcast %broadcast_in_dim3A_45 : f32 to vector<16xf32>
    %broadcast_in_dim3A_47 = arith.constant 0x7F800000 : f32
    %broadcast_in_dim3A_48 = vector.broadcast %broadcast_in_dim3A_47 : f32 to vector<16xf32>
    %broadcast_in_dim3A_49 = arith.constant 0x7F800000 : f32
    %broadcast_in_dim3A_50 = vector.broadcast %broadcast_in_dim3A_49 : f32 to vector<16xf32>
    %broadcast_in_dim3A_51 = arith.constant 0x7F800000 : f32
    %broadcast_in_dim3A_52 = vector.broadcast %broadcast_in_dim3A_51 : f32 to vector<16xf32>
    %broadcast_in_dim3A_53 = arith.constant 0 : i32
    %broadcast_in_dim3A_54 = vector.broadcast %broadcast_in_dim3A_53 : i32 to vector<16xi32>
    %broadcast_in_dim3A_55 = arith.constant 0 : i32
    %broadcast_in_dim3A_56 = vector.broadcast %broadcast_in_dim3A_55 : i32 to vector<16xi32>
    %broadcast_in_dim3A_57 = arith.constant 0 : i32
    %broadcast_in_dim3A_58 = vector.broadcast %broadcast_in_dim3A_57 : i32 to vector<16xi32>
    %broadcast_in_dim3A_59 = arith.constant 0 : i32
    %broadcast_in_dim3A_60 = vector.broadcast %broadcast_in_dim3A_59 : i32 to vector<16xi32>
    %broadcast_in_dim3A_61 = arith.constant 0 : i32
    %broadcast_in_dim3A_62 = vector.broadcast %broadcast_in_dim3A_61 : i32 to vector<16xi32>
    %broadcast_in_dim3A_63 = arith.constant 0 : i32
    %broadcast_in_dim3A_64 = vector.broadcast %broadcast_in_dim3A_63 : i32 to vector<16xi32>
    %broadcast_in_dim3A_65 = arith.constant 0 : i32
    %broadcast_in_dim3A_66 = vector.broadcast %broadcast_in_dim3A_65 : i32 to vector<16xi32>
    %broadcast_in_dim3A_67 = arith.constant 0 : i32
    %broadcast_in_dim3A_68 = vector.broadcast %broadcast_in_dim3A_67 : i32 to vector<16xi32>
    %lt3A_69 = arith.constant 16 : i32
    %lt3A_70 = arith.cmpi slt, %arg1, %lt3A_69 : i32
    %convert_element_type3A_71 = arith.extui %lt3A_70 : i1 to i32
    %cond3A_72 = arith.constant 0 : i32
    %cond3A_73 = arith.cmpi ne, %convert_element_type3A_71, %cond3A_72 : i32
    scf.if %cond3A_73 {
      %scan3A = arith.constant 0 : i32
      %scan3A_74 = arith.constant 16 : i32
      %scan3A_75 = arith.addi %scan3A, %scan3A_74 : i32
      %scan3A_76 = arith.constant 1 : i32
      %scan3A_77:16 = scf.for %scan3A_110 = %scan3A to %scan3A_75 step %scan3A_76 iter_args(%scan3A_111 = %broadcast_in_dim3A_38, %scan3A_112 = %broadcast_in_dim3A_40, %scan3A_113 = %broadcast_in_dim3A_42, %scan3A_114 = %broadcast_in_dim3A_44, %scan3A_115 = %broadcast_in_dim3A_46, %scan3A_116 = %broadcast_in_dim3A_48, %scan3A_117 = %broadcast_in_dim3A_50, %scan3A_118 = %broadcast_in_dim3A_52, %scan3A_119 = %broadcast_in_dim3A_54, %scan3A_120 = %broadcast_in_dim3A_56, %scan3A_121 = %broadcast_in_dim3A_58, %scan3A_122 = %broadcast_in_dim3A_60, %scan3A_123 = %broadcast_in_dim3A_62, %scan3A_124 = %broadcast_in_dim3A_64, %scan3A_125 = %broadcast_in_dim3A_66, %scan3A_126 = %broadcast_in_dim3A_68) -> (vector<16xf32>, vector<16xf32>, vector<16xf32>, vector<16xf32>, vector<16xf32>, vector<16xf32>, vector<16xf32>, vector<16xf32>, vector<16xi32>, vector<16xi32>, vector<16xi32>, vector<16xi32>, vector<16xi32>, vector<16xi32>, vector<16xi32>, vector<16xi32>)  : i32 {
        %mul3A_127 = arith.constant 2 : i32
        %mul3A_128 = arith.muli %mul3A_127, %scan3A_110 : i32
        %add3A_129 = arith.constant 1 : i32
        %add3A_130 = arith.addi %mul3A_128, %add3A_129 : i32
        %mul3A_131 = arith.constant 256 : i32
        %mul3A_132 = arith.muli %add3A_130, %mul3A_131 : i32
        %dma_start3A = tpu.memref_slice %arg2[%add3A_20, %mul3A_132, %select_n3A_34] : memref<4x8192x2048xf32, #tpu.memory_space<hbm>> -> memref<1x256x128xf32, #tpu.memory_space<hbm>>
        %dma_start3A_133 = tpu.memref_squeeze %dma_start3A : memref<1x256x128xf32, #tpu.memory_space<hbm>> -> memref<256x128xf32, #tpu.memory_space<hbm>>
        %dma_start3A_134 = tpu.memref_slice %arg2[%add3A_20, %mul3A_132, %select_n3A_34] : memref<4x8192x2048xf32, #tpu.memory_space<hbm>> -> memref<1x256x128xf32, #tpu.memory_space<hbm>>
        %dma_start3A_135 = tpu.memref_squeeze %dma_start3A_134 : memref<1x256x128xf32, #tpu.memory_space<hbm>> -> memref<256x128xf32, #tpu.memory_space<hbm>>
        tpu.enqueue_dma source(%dma_start3A_135 : memref<256x128xf32, #tpu.memory_space<hbm>>) target(%arg5 : memref<256x128xf32, #tpu.memory_space<vmem>>) target_semaphore(%arg8 : memref<!tpu.dma_semaphore, #tpu.memory_space<semaphore_mem>>)
        %mul3A_136 = arith.constant 256 : i32
        %mul3A_137 = arith.muli %mul3A_128, %mul3A_136 : i32
        %dma_wait3A = tpu.memref_slice %arg2[%add3A_20, %mul3A_137, %select_n3A_34] : memref<4x8192x2048xf32, #tpu.memory_space<hbm>> -> memref<1x256x128xf32, #tpu.memory_space<hbm>>
        %dma_wait3A_138 = tpu.memref_squeeze %dma_wait3A : memref<1x256x128xf32, #tpu.memory_space<hbm>> -> memref<256x128xf32, #tpu.memory_space<hbm>>
        %dma_wait3A_139 = tpu.memref_slice %arg2[%add3A_20, %mul3A_137, %select_n3A_34] : memref<4x8192x2048xf32, #tpu.memory_space<hbm>> -> memref<1x256x128xf32, #tpu.memory_space<hbm>>
        %dma_wait3A_140 = tpu.memref_squeeze %dma_wait3A_139 : memref<1x256x128xf32, #tpu.memory_space<hbm>> -> memref<256x128xf32, #tpu.memory_space<hbm>>
        tpu.wait_dma2 semaphore(%arg7 : memref<!tpu.dma_semaphore, #tpu.memory_space<semaphore_mem>>) src(%dma_wait3A_140 : memref<256x128xf32, #tpu.memory_space<hbm>>) dst(%arg4 : memref<256x128xf32, #tpu.memory_space<vmem>>)
        %mul3A_141 = arith.constant 256 : i32
        %mul3A_142 = arith.muli %mul3A_128, %mul3A_141 : i32
        %scan3A_143 = arith.constant 0 : i32
        %scan3A_144 = arith.constant 256 : i32
        %scan3A_145 = arith.addi %scan3A_143, %scan3A_144 : i32
        %scan3A_146 = arith.constant 4 : i32
        %scan3A_147:16 = scf.for %scan3A_174 = %scan3A_143 to %scan3A_145 step %scan3A_146 iter_args(%scan3A_175 = %scan3A_111, %scan3A_176 = %scan3A_112, %scan3A_177 = %scan3A_113, %scan3A_178 = %scan3A_114, %scan3A_179 = %scan3A_115, %scan3A_180 = %scan3A_116, %scan3A_181 = %scan3A_117, %scan3A_182 = %scan3A_118, %scan3A_183 = %scan3A_119, %scan3A_184 = %scan3A_120, %scan3A_185 = %scan3A_121, %scan3A_186 = %scan3A_122, %scan3A_187 = %scan3A_123, %scan3A_188 = %scan3A_124, %scan3A_189 = %scan3A_125, %scan3A_190 = %scan3A_126) -> (vector<16xf32>, vector<16xf32>, vector<16xf32>, vector<16xf32>, vector<16xf32>, vector<16xf32>, vector<16xf32>, vector<16xf32>, vector<16xi32>, vector<16xi32>, vector<16xi32>, vector<16xi32>, vector<16xi32>, vector<16xi32>, vector<16xi32>, vector<16xi32>)  : i32 {
          %add3A_191 = arith.addi %mul3A_142, %scan3A_174 : i32
          %broadcast_in_dim3A_192 = vector.broadcast %add3A_191 : i32 to vector<16xi32>
          %get3A = arith.index_cast %scan3A_174 : i32 to index
          %get3A_193 = arith.constant 0 : index
          %get3A_194 = tpu.vector_load %arg4[%get3A, %get3A_193] {strides = array<i32>} : memref<256x128xf32, #tpu.memory_space<vmem>>, vector<1x16xf32>,
          %get3A_195 = vector.shape_cast %get3A_194 : vector<1x16xf32> to vector<16xf32>
          %lt3A_196 = arith.cmpf olt, %get3A_195, %scan3A_175 : vector<16xf32>
          %min3A = arith.minimumf %get3A_195, %scan3A_175 : vector<16xf32>
          %select_n3A_197 = arith.select %lt3A_196, %broadcast_in_dim3A_192, %scan3A_183 : vector<16xi1>, vector<16xi32>
          %get3A_198 = arith.index_cast %scan3A_174 : i32 to index
          %get3A_199 = arith.constant 16 : index
          %get3A_200 = tpu.vector_load %arg4[%get3A_198, %get3A_199] {strides = array<i32>} : memref<256x128xf32, #tpu.memory_space<vmem>>, vector<1x16xf32>,
          %get3A_201 = vector.shape_cast %get3A_200 : vector<1x16xf32> to vector<16xf32>
          %lt3A_202 = arith.cmpf olt, %get3A_201, %scan3A_176 : vector<16xf32>
          %min3A_203 = arith.minimumf %get3A_201, %scan3A_176 : vector<16xf32>
          %select_n3A_204 = arith.select %lt3A_202, %broadcast_in_dim3A_192, %scan3A_184 : vector<16xi1>, vector<16xi32>
          %get3A_205 = arith.index_cast %scan3A_174 : i32 to index
          %get3A_206 = arith.constant 32 : index
          %get3A_207 = tpu.vector_load %arg4[%get3A_205, %get3A_206] {strides = array<i32>} : memref<256x128xf32, #tpu.memory_space<vmem>>, vector<1x16xf32>,
          %get3A_208 = vector.shape_cast %get3A_207 : vector<1x16xf32> to vector<16xf32>
          %lt3A_209 = arith.cmpf olt, %get3A_208, %scan3A_177 : vector<16xf32>
          %min3A_210 = arith.minimumf %get3A_208, %scan3A_177 : vector<16xf32>
          %select_n3A_211 = arith.select %lt3A_209, %broadcast_in_dim3A_192, %scan3A_185 : vector<16xi1>, vector<16xi32>
          %get3A_212 = arith.index_cast %scan3A_174 : i32 to index
          %get3A_213 = arith.constant 48 : index
          %get3A_214 = tpu.vector_load %arg4[%get3A_212, %get3A_213] {strides = array<i32>} : memref<256x128xf32, #tpu.memory_space<vmem>>, vector<1x16xf32>,
          %get3A_215 = vector.shape_cast %get3A_214 : vector<1x16xf32> to vector<16xf32>
          %lt3A_216 = arith.cmpf olt, %get3A_215, %scan3A_178 : vector<16xf32>
          %min3A_217 = arith.minimumf %get3A_215, %scan3A_178 : vector<16xf32>
          %select_n3A_218 = arith.select %lt3A_216, %broadcast_in_dim3A_192, %scan3A_186 : vector<16xi1>, vector<16xi32>
          %get3A_219 = arith.index_cast %scan3A_174 : i32 to index
          %get3A_220 = arith.constant 64 : index
          %get3A_221 = tpu.vector_load %arg4[%get3A_219, %get3A_220] {strides = array<i32>} : memref<256x128xf32, #tpu.memory_space<vmem>>, vector<1x16xf32>,
          %get3A_222 = vector.shape_cast %get3A_221 : vector<1x16xf32> to vector<16xf32>
          %lt3A_223 = arith.cmpf olt, %get3A_222, %scan3A_179 : vector<16xf32>
          %min3A_224 = arith.minimumf %get3A_222, %scan3A_179 : vector<16xf32>
          %select_n3A_225 = arith.select %lt3A_223, %broadcast_in_dim3A_192, %scan3A_187 : vector<16xi1>, vector<16xi32>
          %get3A_226 = arith.index_cast %scan3A_174 : i32 to index
          %get3A_227 = arith.constant 80 : index
          %get3A_228 = tpu.vector_load %arg4[%get3A_226, %get3A_227] {strides = array<i32>} : memref<256x128xf32, #tpu.memory_space<vmem>>, vector<1x16xf32>,
          %get3A_229 = vector.shape_cast %get3A_228 : vector<1x16xf32> to vector<16xf32>
          %lt3A_230 = arith.cmpf olt, %get3A_229, %scan3A_180 : vector<16xf32>
          %min3A_231 = arith.minimumf %get3A_229, %scan3A_180 : vector<16xf32>
          %select_n3A_232 = arith.select %lt3A_230, %broadcast_in_dim3A_192, %scan3A_188 : vector<16xi1>, vector<16xi32>
          %get3A_233 = arith.index_cast %scan3A_174 : i32 to index
          %get3A_234 = arith.constant 96 : index
          %get3A_235 = tpu.vector_load %arg4[%get3A_233, %get3A_234] {strides = array<i32>} : memref<256x128xf32, #tpu.memory_space<vmem>>, vector<1x16xf32>,
          %get3A_236 = vector.shape_cast %get3A_235 : vector<1x16xf32> to vector<16xf32>
          %lt3A_237 = arith.cmpf olt, %get3A_236, %scan3A_181 : vector<16xf32>
          %min3A_238 = arith.minimumf %get3A_236, %scan3A_181 : vector<16xf32>
          %select_n3A_239 = arith.select %lt3A_237, %broadcast_in_dim3A_192, %scan3A_189 : vector<16xi1>, vector<16xi32>
          %get3A_240 = arith.index_cast %scan3A_174 : i32 to index
          %get3A_241 = arith.constant 112 : index
          %get3A_242 = tpu.vector_load %arg4[%get3A_240, %get3A_241] {strides = array<i32>} : memref<256x128xf32, #tpu.memory_space<vmem>>, vector<1x16xf32>,
          %get3A_243 = vector.shape_cast %get3A_242 : vector<1x16xf32> to vector<16xf32>
          %lt3A_244 = arith.cmpf olt, %get3A_243, %scan3A_182 : vector<16xf32>
          %min3A_245 = arith.minimumf %get3A_243, %scan3A_182 : vector<16xf32>
          %select_n3A_246 = arith.select %lt3A_244, %broadcast_in_dim3A_192, %scan3A_190 : vector<16xi1>, vector<16xi32>
          %scan3A_247 = arith.constant 1 : i32
          %scan3A_248 = arith.addi %scan3A_174, %scan3A_247 : i32
          %add3A_249 = arith.addi %mul3A_142, %scan3A_248 : i32
          %broadcast_in_dim3A_250 = vector.broadcast %add3A_249 : i32 to vector<16xi32>
          %get3A_251 = arith.index_cast %scan3A_248 : i32 to index
          %get3A_252 = arith.constant 0 : index
          %get3A_253 = tpu.vector_load %arg4[%get3A_251, %get3A_252] {strides = array<i32>} : memref<256x128xf32, #tpu.memory_space<vmem>>, vector<1x16xf32>,
          %get3A_254 = vector.shape_cast %get3A_253 : vector<1x16xf32> to vector<16xf32>
          %lt3A_255 = arith.cmpf olt, %get3A_254, %min3A : vector<16xf32>
          %min3A_256 = arith.minimumf %get3A_254, %min3A : vector<16xf32>
          %select_n3A_257 = arith.select %lt3A_255, %broadcast_in_dim3A_250, %select_n3A_197 : vector<16xi1>, vector<16xi32>
          %get3A_258 = arith.index_cast %scan3A_248 : i32 to index
          %get3A_259 = arith.constant 16 : index
          %get3A_260 = tpu.vector_load %arg4[%get3A_258, %get3A_259] {strides = array<i32>} : memref<256x128xf32, #tpu.memory_space<vmem>>, vector<1x16xf32>,
          %get3A_261 = vector.shape_cast %get3A_260 : vector<1x16xf32> to vector<16xf32>
          %lt3A_262 = arith.cmpf olt, %get3A_261, %min3A_203 : vector<16xf32>
          %min3A_263 = arith.minimumf %get3A_261, %min3A_203 : vector<16xf32>
          %select_n3A_264 = arith.select %lt3A_262, %broadcast_in_dim3A_250, %select_n3A_204 : vector<16xi1>, vector<16xi32>
          %get3A_265 = arith.index_cast %scan3A_248 : i32 to index
          %get3A_266 = arith.constant 32 : index
          %get3A_267 = tpu.vector_load %arg4[%get3A_265, %get3A_266] {strides = array<i32>} : memref<256x128xf32, #tpu.memory_space<vmem>>, vector<1x16xf32>,
          %get3A_268 = vector.shape_cast %get3A_267 : vector<1x16xf32> to vector<16xf32>
          %lt3A_269 = arith.cmpf olt, %get3A_268, %min3A_210 : vector<16xf32>
          %min3A_270 = arith.minimumf %get3A_268, %min3A_210 : vector<16xf32>
          %select_n3A_271 = arith.select %lt3A_269, %broadcast_in_dim3A_250, %select_n3A_211 : vector<16xi1>, vector<16xi32>
          %get3A_272 = arith.index_cast %scan3A_248 : i32 to index
          %get3A_273 = arith.constant 48 : index
          %get3A_274 = tpu.vector_load %arg4[%get3A_272, %get3A_273] {strides = array<i32>} : memref<256x128xf32, #tpu.memory_space<vmem>>, vector<1x16xf32>,
          %get3A_275 = vector.shape_cast %get3A_274 : vector<1x16xf32> to vector<16xf32>
          %lt3A_276 = arith.cmpf olt, %get3A_275, %min3A_217 : vector<16xf32>
          %min3A_277 = arith.minimumf %get3A_275, %min3A_217 : vector<16xf32>
          %select_n3A_278 = arith.select %lt3A_276, %broadcast_in_dim3A_250, %select_n3A_218 : vector<16xi1>, vector<16xi32>
          %get3A_279 = arith.index_cast %scan3A_248 : i32 to index
          %get3A_280 = arith.constant 64 : index
          %get3A_281 = tpu.vector_load %arg4[%get3A_279, %get3A_280] {strides = array<i32>} : memref<256x128xf32, #tpu.memory_space<vmem>>, vector<1x16xf32>,
          %get3A_282 = vector.shape_cast %get3A_281 : vector<1x16xf32> to vector<16xf32>
          %lt3A_283 = arith.cmpf olt, %get3A_282, %min3A_224 : vector<16xf32>
          %min3A_284 = arith.minimumf %get3A_282, %min3A_224 : vector<16xf32>
          %select_n3A_285 = arith.select %lt3A_283, %broadcast_in_dim3A_250, %select_n3A_225 : vector<16xi1>, vector<16xi32>
          %get3A_286 = arith.index_cast %scan3A_248 : i32 to index
          %get3A_287 = arith.constant 80 : index
          %get3A_288 = tpu.vector_load %arg4[%get3A_286, %get3A_287] {strides = array<i32>} : memref<256x128xf32, #tpu.memory_space<vmem>>, vector<1x16xf32>,
          %get3A_289 = vector.shape_cast %get3A_288 : vector<1x16xf32> to vector<16xf32>
          %lt3A_290 = arith.cmpf olt, %get3A_289, %min3A_231 : vector<16xf32>
          %min3A_291 = arith.minimumf %get3A_289, %min3A_231 : vector<16xf32>
          %select_n3A_292 = arith.select %lt3A_290, %broadcast_in_dim3A_250, %select_n3A_232 : vector<16xi1>, vector<16xi32>
          %get3A_293 = arith.index_cast %scan3A_248 : i32 to index
          %get3A_294 = arith.constant 96 : index
          %get3A_295 = tpu.vector_load %arg4[%get3A_293, %get3A_294] {strides = array<i32>} : memref<256x128xf32, #tpu.memory_space<vmem>>, vector<1x16xf32>,
          %get3A_296 = vector.shape_cast %get3A_295 : vector<1x16xf32> to vector<16xf32>
          %lt3A_297 = arith.cmpf olt, %get3A_296, %min3A_238 : vector<16xf32>
          %min3A_298 = arith.minimumf %get3A_296, %min3A_238 : vector<16xf32>
          %select_n3A_299 = arith.select %lt3A_297, %broadcast_in_dim3A_250, %select_n3A_239 : vector<16xi1>, vector<16xi32>
          %get3A_300 = arith.index_cast %scan3A_248 : i32 to index
          %get3A_301 = arith.constant 112 : index
          %get3A_302 = tpu.vector_load %arg4[%get3A_300, %get3A_301] {strides = array<i32>} : memref<256x128xf32, #tpu.memory_space<vmem>>, vector<1x16xf32>,
          %get3A_303 = vector.shape_cast %get3A_302 : vector<1x16xf32> to vector<16xf32>
          %lt3A_304 = arith.cmpf olt, %get3A_303, %min3A_245 : vector<16xf32>
          %min3A_305 = arith.minimumf %get3A_303, %min3A_245 : vector<16xf32>
          %select_n3A_306 = arith.select %lt3A_304, %broadcast_in_dim3A_250, %select_n3A_246 : vector<16xi1>, vector<16xi32>
          %scan3A_307 = arith.constant 2 : i32
          %scan3A_308 = arith.addi %scan3A_174, %scan3A_307 : i32
          %add3A_309 = arith.addi %mul3A_142, %scan3A_308 : i32
          %broadcast_in_dim3A_310 = vector.broadcast %add3A_309 : i32 to vector<16xi32>
          %get3A_311 = arith.index_cast %scan3A_308 : i32 to index
          %get3A_312 = arith.constant 0 : index
          %get3A_313 = tpu.vector_load %arg4[%get3A_311, %get3A_312] {strides = array<i32>} : memref<256x128xf32, #tpu.memory_space<vmem>>, vector<1x16xf32>,
          %get3A_314 = vector.shape_cast %get3A_313 : vector<1x16xf32> to vector<16xf32>
          %lt3A_315 = arith.cmpf olt, %get3A_314, %min3A_256 : vector<16xf32>
          %min3A_316 = arith.minimumf %get3A_314, %min3A_256 : vector<16xf32>
          %select_n3A_317 = arith.select %lt3A_315, %broadcast_in_dim3A_310, %select_n3A_257 : vector<16xi1>, vector<16xi32>
          %get3A_318 = arith.index_cast %scan3A_308 : i32 to index
          %get3A_319 = arith.constant 16 : index
          %get3A_320 = tpu.vector_load %arg4[%get3A_318, %get3A_319] {strides = array<i32>} : memref<256x128xf32, #tpu.memory_space<vmem>>, vector<1x16xf32>,
          %get3A_321 = vector.shape_cast %get3A_320 : vector<1x16xf32> to vector<16xf32>
          %lt3A_322 = arith.cmpf olt, %get3A_321, %min3A_263 : vector<16xf32>
          %min3A_323 = arith.minimumf %get3A_321, %min3A_263 : vector<16xf32>
          %select_n3A_324 = arith.select %lt3A_322, %broadcast_in_dim3A_310, %select_n3A_264 : vector<16xi1>, vector<16xi32>
          %get3A_325 = arith.index_cast %scan3A_308 : i32 to index
          %get3A_326 = arith.constant 32 : index
          %get3A_327 = tpu.vector_load %arg4[%get3A_325, %get3A_326] {strides = array<i32>} : memref<256x128xf32, #tpu.memory_space<vmem>>, vector<1x16xf32>,
          %get3A_328 = vector.shape_cast %get3A_327 : vector<1x16xf32> to vector<16xf32>
          %lt3A_329 = arith.cmpf olt, %get3A_328, %min3A_270 : vector<16xf32>
          %min3A_330 = arith.minimumf %get3A_328, %min3A_270 : vector<16xf32>
          %select_n3A_331 = arith.select %lt3A_329, %broadcast_in_dim3A_310, %select_n3A_271 : vector<16xi1>, vector<16xi32>
          %get3A_332 = arith.index_cast %scan3A_308 : i32 to index
          %get3A_333 = arith.constant 48 : index
          %get3A_334 = tpu.vector_load %arg4[%get3A_332, %get3A_333] {strides = array<i32>} : memref<256x128xf32, #tpu.memory_space<vmem>>, vector<1x16xf32>,
          %get3A_335 = vector.shape_cast %get3A_334 : vector<1x16xf32> to vector<16xf32>
          %lt3A_336 = arith.cmpf olt, %get3A_335, %min3A_277 : vector<16xf32>
          %min3A_337 = arith.minimumf %get3A_335, %min3A_277 : vector<16xf32>
          %select_n3A_338 = arith.select %lt3A_336, %broadcast_in_dim3A_310, %select_n3A_278 : vector<16xi1>, vector<16xi32>
          %get3A_339 = arith.index_cast %scan3A_308 : i32 to index
          %get3A_340 = arith.constant 64 : index
          %get3A_341 = tpu.vector_load %arg4[%get3A_339, %get3A_340] {strides = array<i32>} : memref<256x128xf32, #tpu.memory_space<vmem>>, vector<1x16xf32>,
          %get3A_342 = vector.shape_cast %get3A_341 : vector<1x16xf32> to vector<16xf32>
          %lt3A_343 = arith.cmpf olt, %get3A_342, %min3A_284 : vector<16xf32>
          %min3A_344 = arith.minimumf %get3A_342, %min3A_284 : vector<16xf32>
          %select_n3A_345 = arith.select %lt3A_343, %broadcast_in_dim3A_310, %select_n3A_285 : vector<16xi1>, vector<16xi32>
          %get3A_346 = arith.index_cast %scan3A_308 : i32 to index
          %get3A_347 = arith.constant 80 : index
          %get3A_348 = tpu.vector_load %arg4[%get3A_346, %get3A_347] {strides = array<i32>} : memref<256x128xf32, #tpu.memory_space<vmem>>, vector<1x16xf32>,
          %get3A_349 = vector.shape_cast %get3A_348 : vector<1x16xf32> to vector<16xf32>
          %lt3A_350 = arith.cmpf olt, %get3A_349, %min3A_291 : vector<16xf32>
          %min3A_351 = arith.minimumf %get3A_349, %min3A_291 : vector<16xf32>
          %select_n3A_352 = arith.select %lt3A_350, %broadcast_in_dim3A_310, %select_n3A_292 : vector<16xi1>, vector<16xi32>
          %get3A_353 = arith.index_cast %scan3A_308 : i32 to index
          %get3A_354 = arith.constant 96 : index
          %get3A_355 = tpu.vector_load %arg4[%get3A_353, %get3A_354] {strides = array<i32>} : memref<256x128xf32, #tpu.memory_space<vmem>>, vector<1x16xf32>,
          %get3A_356 = vector.shape_cast %get3A_355 : vector<1x16xf32> to vector<16xf32>
          %lt3A_357 = arith.cmpf olt, %get3A_356, %min3A_298 : vector<16xf32>
          %min3A_358 = arith.minimumf %get3A_356, %min3A_298 : vector<16xf32>
          %select_n3A_359 = arith.select %lt3A_357, %broadcast_in_dim3A_310, %select_n3A_299 : vector<16xi1>, vector<16xi32>
          %get3A_360 = arith.index_cast %scan3A_308 : i32 to index
          %get3A_361 = arith.constant 112 : index
          %get3A_362 = tpu.vector_load %arg4[%get3A_360, %get3A_361] {strides = array<i32>} : memref<256x128xf32, #tpu.memory_space<vmem>>, vector<1x16xf32>,
          %get3A_363 = vector.shape_cast %get3A_362 : vector<1x16xf32> to vector<16xf32>
          %lt3A_364 = arith.cmpf olt, %get3A_363, %min3A_305 : vector<16xf32>
          %min3A_365 = arith.minimumf %get3A_363, %min3A_305 : vector<16xf32>
          %select_n3A_366 = arith.select %lt3A_364, %broadcast_in_dim3A_310, %select_n3A_306 : vector<16xi1>, vector<16xi32>
          %scan3A_367 = arith.constant 3 : i32
          %scan3A_368 = arith.addi %scan3A_174, %scan3A_367 : i32
          %add3A_369 = arith.addi %mul3A_142, %scan3A_368 : i32
          %broadcast_in_dim3A_370 = vector.broadcast %add3A_369 : i32 to vector<16xi32>
          %get3A_371 = arith.index_cast %scan3A_368 : i32 to index
          %get3A_372 = arith.constant 0 : index
          %get3A_373 = tpu.vector_load %arg4[%get3A_371, %get3A_372] {strides = array<i32>} : memref<256x128xf32, #tpu.memory_space<vmem>>, vector<1x16xf32>,
          %get3A_374 = vector.shape_cast %get3A_373 : vector<1x16xf32> to vector<16xf32>
          %lt3A_375 = arith.cmpf olt, %get3A_374, %min3A_316 : vector<16xf32>
          %min3A_376 = arith.minimumf %get3A_374, %min3A_316 : vector<16xf32>
          %select_n3A_377 = arith.select %lt3A_375, %broadcast_in_dim3A_370, %select_n3A_317 : vector<16xi1>, vector<16xi32>
          %get3A_378 = arith.index_cast %scan3A_368 : i32 to index
          %get3A_379 = arith.constant 16 : index
          %get3A_380 = tpu.vector_load %arg4[%get3A_378, %get3A_379] {strides = array<i32>} : memref<256x128xf32, #tpu.memory_space<vmem>>, vector<1x16xf32>,
          %get3A_381 = vector.shape_cast %get3A_380 : vector<1x16xf32> to vector<16xf32>
          %lt3A_382 = arith.cmpf olt, %get3A_381, %min3A_323 : vector<16xf32>
          %min3A_383 = arith.minimumf %get3A_381, %min3A_323 : vector<16xf32>
          %select_n3A_384 = arith.select %lt3A_382, %broadcast_in_dim3A_370, %select_n3A_324 : vector<16xi1>, vector<16xi32>
          %get3A_385 = arith.index_cast %scan3A_368 : i32 to index
          %get3A_386 = arith.constant 32 : index
          %get3A_387 = tpu.vector_load %arg4[%get3A_385, %get3A_386] {strides = array<i32>} : memref<256x128xf32, #tpu.memory_space<vmem>>, vector<1x16xf32>,
          %get3A_388 = vector.shape_cast %get3A_387 : vector<1x16xf32> to vector<16xf32>
          %lt3A_389 = arith.cmpf olt, %get3A_388, %min3A_330 : vector<16xf32>
          %min3A_390 = arith.minimumf %get3A_388, %min3A_330 : vector<16xf32>
          %select_n3A_391 = arith.select %lt3A_389, %broadcast_in_dim3A_370, %select_n3A_331 : vector<16xi1>, vector<16xi32>
          %get3A_392 = arith.index_cast %scan3A_368 : i32 to index
          %get3A_393 = arith.constant 48 : index
          %get3A_394 = tpu.vector_load %arg4[%get3A_392, %get3A_393] {strides = array<i32>} : memref<256x128xf32, #tpu.memory_space<vmem>>, vector<1x16xf32>,
          %get3A_395 = vector.shape_cast %get3A_394 : vector<1x16xf32> to vector<16xf32>
          %lt3A_396 = arith.cmpf olt, %get3A_395, %min3A_337 : vector<16xf32>
          %min3A_397 = arith.minimumf %get3A_395, %min3A_337 : vector<16xf32>
          %select_n3A_398 = arith.select %lt3A_396, %broadcast_in_dim3A_370, %select_n3A_338 : vector<16xi1>, vector<16xi32>
          %get3A_399 = arith.index_cast %scan3A_368 : i32 to index
          %get3A_400 = arith.constant 64 : index
          %get3A_401 = tpu.vector_load %arg4[%get3A_399, %get3A_400] {strides = array<i32>} : memref<256x128xf32, #tpu.memory_space<vmem>>, vector<1x16xf32>,
          %get3A_402 = vector.shape_cast %get3A_401 : vector<1x16xf32> to vector<16xf32>
          %lt3A_403 = arith.cmpf olt, %get3A_402, %min3A_344 : vector<16xf32>
          %min3A_404 = arith.minimumf %get3A_402, %min3A_344 : vector<16xf32>
          %select_n3A_405 = arith.select %lt3A_403, %broadcast_in_dim3A_370, %select_n3A_345 : vector<16xi1>, vector<16xi32>
          %get3A_406 = arith.index_cast %scan3A_368 : i32 to index
          %get3A_407 = arith.constant 80 : index
          %get3A_408 = tpu.vector_load %arg4[%get3A_406, %get3A_407] {strides = array<i32>} : memref<256x128xf32, #tpu.memory_space<vmem>>, vector<1x16xf32>,
          %get3A_409 = vector.shape_cast %get3A_408 : vector<1x16xf32> to vector<16xf32>
          %lt3A_410 = arith.cmpf olt, %get3A_409, %min3A_351 : vector<16xf32>
          %min3A_411 = arith.minimumf %get3A_409, %min3A_351 : vector<16xf32>
          %select_n3A_412 = arith.select %lt3A_410, %broadcast_in_dim3A_370, %select_n3A_352 : vector<16xi1>, vector<16xi32>
          %get3A_413 = arith.index_cast %scan3A_368 : i32 to index
          %get3A_414 = arith.constant 96 : index
          %get3A_415 = tpu.vector_load %arg4[%get3A_413, %get3A_414] {strides = array<i32>} : memref<256x128xf32, #tpu.memory_space<vmem>>, vector<1x16xf32>,
          %get3A_416 = vector.shape_cast %get3A_415 : vector<1x16xf32> to vector<16xf32>
          %lt3A_417 = arith.cmpf olt, %get3A_416, %min3A_358 : vector<16xf32>
          %min3A_418 = arith.minimumf %get3A_416, %min3A_358 : vector<16xf32>
          %select_n3A_419 = arith.select %lt3A_417, %broadcast_in_dim3A_370, %select_n3A_359 : vector<16xi1>, vector<16xi32>
          %get3A_420 = arith.index_cast %scan3A_368 : i32 to index
          %get3A_421 = arith.constant 112 : index
          %get3A_422 = tpu.vector_load %arg4[%get3A_420, %get3A_421] {strides = array<i32>} : memref<256x128xf32, #tpu.memory_space<vmem>>, vector<1x16xf32>,
          %get3A_423 = vector.shape_cast %get3A_422 : vector<1x16xf32> to vector<16xf32>
          %lt3A_424 = arith.cmpf olt, %get3A_423, %min3A_365 : vector<16xf32>
          %min3A_425 = arith.minimumf %get3A_423, %min3A_365 : vector<16xf32>
          %select_n3A_426 = arith.select %lt3A_424, %broadcast_in_dim3A_370, %select_n3A_366 : vector<16xi1>, vector<16xi32>
          scf.yield %min3A_376, %min3A_383, %min3A_390, %min3A_397, %min3A_404, %min3A_411, %min3A_418, %min3A_425, %select_n3A_377, %select_n3A_384, %select_n3A_391, %select_n3A_398, %select_n3A_405, %select_n3A_412, %select_n3A_419, %select_n3A_426 : vector<16xf32>, vector<16xf32>, vector<16xf32>, vector<16xf32>, vector<16xf32>, vector<16xf32>, vector<16xf32>, vector<16xf32>, vector<16xi32>, vector<16xi32>, vector<16xi32>, vector<16xi32>, vector<16xi32>, vector<16xi32>, vector<16xi32>, vector<16xi32>
        }
        %scan3A_148 = arith.constant 256 : i32
        %add3A_149 = arith.constant 2 : i32
        %add3A_150 = arith.addi %mul3A_128, %add3A_149 : i32
        %lt3A_151 = arith.constant 32 : i32
        %lt3A_152 = arith.cmpi slt, %add3A_150, %lt3A_151 : i32
        %convert_element_type3A_153 = arith.extui %lt3A_152 : i1 to i32
        %cond3A_154 = arith.constant 0 : i32
        %cond3A_155 = arith.cmpi ne, %convert_element_type3A_153, %cond3A_154 : i32
        scf.if %cond3A_155 {
          %add3A_174 = arith.constant 2 : i32
          %add3A_175 = arith.addi %mul3A_128, %add3A_174 : i32
          %mul3A_176 = arith.constant 256 : i32
          %mul3A_177 = arith.muli %add3A_175, %mul3A_176 : i32
          %dma_start3A_178 = tpu.memref_slice %arg2[%add3A_20, %mul3A_177, %select_n3A_34] : memref<4x8192x2048xf32, #tpu.memory_space<hbm>> -> memref<1x256x128xf32, #tpu.memory_space<hbm>>
          %dma_start3A_179 = tpu.memref_squeeze %dma_start3A_178 : memref<1x256x128xf32, #tpu.memory_space<hbm>> -> memref<256x128xf32, #tpu.memory_space<hbm>>
          %dma_start3A_180 = tpu.memref_slice %arg2[%add3A_20, %mul3A_177, %select_n3A_34] : memref<4x8192x2048xf32, #tpu.memory_space<hbm>> -> memref<1x256x128xf32, #tpu.memory_space<hbm>>
          %dma_start3A_181 = tpu.memref_squeeze %dma_start3A_180 : memref<1x256x128xf32, #tpu.memory_space<hbm>> -> memref<256x128xf32, #tpu.memory_space<hbm>>
          tpu.enqueue_dma source(%dma_start3A_181 : memref<256x128xf32, #tpu.memory_space<hbm>>) target(%arg4 : memref<256x128xf32, #tpu.memory_space<vmem>>) target_semaphore(%arg7 : memref<!tpu.dma_semaphore, #tpu.memory_space<semaphore_mem>>)
        } else {
        }
        %add3A_156 = arith.constant 1 : i32
        %add3A_157 = arith.addi %mul3A_128, %add3A_156 : i32
        %mul3A_158 = arith.constant 256 : i32
        %mul3A_159 = arith.muli %add3A_157, %mul3A_158 : i32
        %dma_wait3A_160 = tpu.memref_slice %arg2[%add3A_20, %mul3A_159, %select_n3A_34] : memref<4x8192x2048xf32, #tpu.memory_space<hbm>> -> memref<1x256x128xf32, #tpu.memory_space<hbm>>
        %dma_wait3A_161 = tpu.memref_squeeze %dma_wait3A_160 : memref<1x256x128xf32, #tpu.memory_space<hbm>> -> memref<256x128xf32, #tpu.memory_space<hbm>>
        %dma_wait3A_162 = tpu.memref_slice %arg2[%add3A_20, %mul3A_159, %select_n3A_34] : memref<4x8192x2048xf32, #tpu.memory_space<hbm>> -> memref<1x256x128xf32, #tpu.memory_space<hbm>>
        %dma_wait3A_163 = tpu.memref_squeeze %dma_wait3A_162 : memref<1x256x128xf32, #tpu.memory_space<hbm>> -> memref<256x128xf32, #tpu.memory_space<hbm>>
        tpu.wait_dma2 semaphore(%arg8 : memref<!tpu.dma_semaphore, #tpu.memory_space<semaphore_mem>>) src(%dma_wait3A_163 : memref<256x128xf32, #tpu.memory_space<hbm>>) dst(%arg5 : memref<256x128xf32, #tpu.memory_space<vmem>>)
        %add3A_164 = arith.constant 1 : i32
        %add3A_165 = arith.addi %mul3A_128, %add3A_164 : i32
        %mul3A_166 = arith.constant 256 : i32
        %mul3A_167 = arith.muli %add3A_165, %mul3A_166 : i32
        %scan3A_168 = arith.constant 0 : i32
        %scan3A_169 = arith.constant 256 : i32
        %scan3A_170 = arith.addi %scan3A_168, %scan3A_169 : i32
        %scan3A_171 = arith.constant 4 : i32
        %scan3A_172:16 = scf.for %scan3A_174 = %scan3A_168 to %scan3A_170 step %scan3A_171 iter_args(%scan3A_175 = %scan3A_147#0, %scan3A_176 = %scan3A_147#1, %scan3A_177 = %scan3A_147#2, %scan3A_178 = %scan3A_147#3, %scan3A_179 = %scan3A_147#4, %scan3A_180 = %scan3A_147#5, %scan3A_181 = %scan3A_147#6, %scan3A_182 = %scan3A_147#7, %scan3A_183 = %scan3A_147#8, %scan3A_184 = %scan3A_147#9, %scan3A_185 = %scan3A_147#10, %scan3A_186 = %scan3A_147#11, %scan3A_187 = %scan3A_147#12, %scan3A_188 = %scan3A_147#13, %scan3A_189 = %scan3A_147#14, %scan3A_190 = %scan3A_147#15) -> (vector<16xf32>, vector<16xf32>, vector<16xf32>, vector<16xf32>, vector<16xf32>, vector<16xf32>, vector<16xf32>, vector<16xf32>, vector<16xi32>, vector<16xi32>, vector<16xi32>, vector<16xi32>, vector<16xi32>, vector<16xi32>, vector<16xi32>, vector<16xi32>)  : i32 {
          %add3A_191 = arith.addi %mul3A_167, %scan3A_174 : i32
          %broadcast_in_dim3A_192 = vector.broadcast %add3A_191 : i32 to vector<16xi32>
          %get3A = arith.index_cast %scan3A_174 : i32 to index
          %get3A_193 = arith.constant 0 : index
          %get3A_194 = tpu.vector_load %arg5[%get3A, %get3A_193] {strides = array<i32>} : memref<256x128xf32, #tpu.memory_space<vmem>>, vector<1x16xf32>,
          %get3A_195 = vector.shape_cast %get3A_194 : vector<1x16xf32> to vector<16xf32>
          %lt3A_196 = arith.cmpf olt, %get3A_195, %scan3A_175 : vector<16xf32>
          %min3A = arith.minimumf %get3A_195, %scan3A_175 : vector<16xf32>
          %select_n3A_197 = arith.select %lt3A_196, %broadcast_in_dim3A_192, %scan3A_183 : vector<16xi1>, vector<16xi32>
          %get3A_198 = arith.index_cast %scan3A_174 : i32 to index
          %get3A_199 = arith.constant 16 : index
          %get3A_200 = tpu.vector_load %arg5[%get3A_198, %get3A_199] {strides = array<i32>} : memref<256x128xf32, #tpu.memory_space<vmem>>, vector<1x16xf32>,
          %get3A_201 = vector.shape_cast %get3A_200 : vector<1x16xf32> to vector<16xf32>
          %lt3A_202 = arith.cmpf olt, %get3A_201, %scan3A_176 : vector<16xf32>
          %min3A_203 = arith.minimumf %get3A_201, %scan3A_176 : vector<16xf32>
          %select_n3A_204 = arith.select %lt3A_202, %broadcast_in_dim3A_192, %scan3A_184 : vector<16xi1>, vector<16xi32>
          %get3A_205 = arith.index_cast %scan3A_174 : i32 to index
          %get3A_206 = arith.constant 32 : index
          %get3A_207 = tpu.vector_load %arg5[%get3A_205, %get3A_206] {strides = array<i32>} : memref<256x128xf32, #tpu.memory_space<vmem>>, vector<1x16xf32>,
          %get3A_208 = vector.shape_cast %get3A_207 : vector<1x16xf32> to vector<16xf32>
          %lt3A_209 = arith.cmpf olt, %get3A_208, %scan3A_177 : vector<16xf32>
          %min3A_210 = arith.minimumf %get3A_208, %scan3A_177 : vector<16xf32>
          %select_n3A_211 = arith.select %lt3A_209, %broadcast_in_dim3A_192, %scan3A_185 : vector<16xi1>, vector<16xi32>
          %get3A_212 = arith.index_cast %scan3A_174 : i32 to index
          %get3A_213 = arith.constant 48 : index
          %get3A_214 = tpu.vector_load %arg5[%get3A_212, %get3A_213] {strides = array<i32>} : memref<256x128xf32, #tpu.memory_space<vmem>>, vector<1x16xf32>,
          %get3A_215 = vector.shape_cast %get3A_214 : vector<1x16xf32> to vector<16xf32>
          %lt3A_216 = arith.cmpf olt, %get3A_215, %scan3A_178 : vector<16xf32>
          %min3A_217 = arith.minimumf %get3A_215, %scan3A_178 : vector<16xf32>
          %select_n3A_218 = arith.select %lt3A_216, %broadcast_in_dim3A_192, %scan3A_186 : vector<16xi1>, vector<16xi32>
          %get3A_219 = arith.index_cast %scan3A_174 : i32 to index
          %get3A_220 = arith.constant 64 : index
          %get3A_221 = tpu.vector_load %arg5[%get3A_219, %get3A_220] {strides = array<i32>} : memref<256x128xf32, #tpu.memory_space<vmem>>, vector<1x16xf32>,
          %get3A_222 = vector.shape_cast %get3A_221 : vector<1x16xf32> to vector<16xf32>
          %lt3A_223 = arith.cmpf olt, %get3A_222, %scan3A_179 : vector<16xf32>
          %min3A_224 = arith.minimumf %get3A_222, %scan3A_179 : vector<16xf32>
          %select_n3A_225 = arith.select %lt3A_223, %broadcast_in_dim3A_192, %scan3A_187 : vector<16xi1>, vector<16xi32>
          %get3A_226 = arith.index_cast %scan3A_174 : i32 to index
          %get3A_227 = arith.constant 80 : index
          %get3A_228 = tpu.vector_load %arg5[%get3A_226, %get3A_227] {strides = array<i32>} : memref<256x128xf32, #tpu.memory_space<vmem>>, vector<1x16xf32>,
          %get3A_229 = vector.shape_cast %get3A_228 : vector<1x16xf32> to vector<16xf32>
          %lt3A_230 = arith.cmpf olt, %get3A_229, %scan3A_180 : vector<16xf32>
          %min3A_231 = arith.minimumf %get3A_229, %scan3A_180 : vector<16xf32>
          %select_n3A_232 = arith.select %lt3A_230, %broadcast_in_dim3A_192, %scan3A_188 : vector<16xi1>, vector<16xi32>
          %get3A_233 = arith.index_cast %scan3A_174 : i32 to index
          %get3A_234 = arith.constant 96 : index
          %get3A_235 = tpu.vector_load %arg5[%get3A_233, %get3A_234] {strides = array<i32>} : memref<256x128xf32, #tpu.memory_space<vmem>>, vector<1x16xf32>,
          %get3A_236 = vector.shape_cast %get3A_235 : vector<1x16xf32> to vector<16xf32>
          %lt3A_237 = arith.cmpf olt, %get3A_236, %scan3A_181 : vector<16xf32>
          %min3A_238 = arith.minimumf %get3A_236, %scan3A_181 : vector<16xf32>
          %select_n3A_239 = arith.select %lt3A_237, %broadcast_in_dim3A_192, %scan3A_189 : vector<16xi1>, vector<16xi32>
          %get3A_240 = arith.index_cast %scan3A_174 : i32 to index
          %get3A_241 = arith.constant 112 : index
          %get3A_242 = tpu.vector_load %arg5[%get3A_240, %get3A_241] {strides = array<i32>} : memref<256x128xf32, #tpu.memory_space<vmem>>, vector<1x16xf32>,
          %get3A_243 = vector.shape_cast %get3A_242 : vector<1x16xf32> to vector<16xf32>
          %lt3A_244 = arith.cmpf olt, %get3A_243, %scan3A_182 : vector<16xf32>
          %min3A_245 = arith.minimumf %get3A_243, %scan3A_182 : vector<16xf32>
          %select_n3A_246 = arith.select %lt3A_244, %broadcast_in_dim3A_192, %scan3A_190 : vector<16xi1>, vector<16xi32>
          %scan3A_247 = arith.constant 1 : i32
          %scan3A_248 = arith.addi %scan3A_174, %scan3A_247 : i32
          %add3A_249 = arith.addi %mul3A_167, %scan3A_248 : i32
          %broadcast_in_dim3A_250 = vector.broadcast %add3A_249 : i32 to vector<16xi32>
          %get3A_251 = arith.index_cast %scan3A_248 : i32 to index
          %get3A_252 = arith.constant 0 : index
          %get3A_253 = tpu.vector_load %arg5[%get3A_251, %get3A_252] {strides = array<i32>} : memref<256x128xf32, #tpu.memory_space<vmem>>, vector<1x16xf32>,
          %get3A_254 = vector.shape_cast %get3A_253 : vector<1x16xf32> to vector<16xf32>
          %lt3A_255 = arith.cmpf olt, %get3A_254, %min3A : vector<16xf32>
          %min3A_256 = arith.minimumf %get3A_254, %min3A : vector<16xf32>
          %select_n3A_257 = arith.select %lt3A_255, %broadcast_in_dim3A_250, %select_n3A_197 : vector<16xi1>, vector<16xi32>
          %get3A_258 = arith.index_cast %scan3A_248 : i32 to index
          %get3A_259 = arith.constant 16 : index
          %get3A_260 = tpu.vector_load %arg5[%get3A_258, %get3A_259] {strides = array<i32>} : memref<256x128xf32, #tpu.memory_space<vmem>>, vector<1x16xf32>,
          %get3A_261 = vector.shape_cast %get3A_260 : vector<1x16xf32> to vector<16xf32>
          %lt3A_262 = arith.cmpf olt, %get3A_261, %min3A_203 : vector<16xf32>
          %min3A_263 = arith.minimumf %get3A_261, %min3A_203 : vector<16xf32>
          %select_n3A_264 = arith.select %lt3A_262, %broadcast_in_dim3A_250, %select_n3A_204 : vector<16xi1>, vector<16xi32>
          %get3A_265 = arith.index_cast %scan3A_248 : i32 to index
          %get3A_266 = arith.constant 32 : index
          %get3A_267 = tpu.vector_load %arg5[%get3A_265, %get3A_266] {strides = array<i32>} : memref<256x128xf32, #tpu.memory_space<vmem>>, vector<1x16xf32>,
          %get3A_268 = vector.shape_cast %get3A_267 : vector<1x16xf32> to vector<16xf32>
          %lt3A_269 = arith.cmpf olt, %get3A_268, %min3A_210 : vector<16xf32>
          %min3A_270 = arith.minimumf %get3A_268, %min3A_210 : vector<16xf32>
          %select_n3A_271 = arith.select %lt3A_269, %broadcast_in_dim3A_250, %select_n3A_211 : vector<16xi1>, vector<16xi32>
          %get3A_272 = arith.index_cast %scan3A_248 : i32 to index
          %get3A_273 = arith.constant 48 : index
          %get3A_274 = tpu.vector_load %arg5[%get3A_272, %get3A_273] {strides = array<i32>} : memref<256x128xf32, #tpu.memory_space<vmem>>, vector<1x16xf32>,
          %get3A_275 = vector.shape_cast %get3A_274 : vector<1x16xf32> to vector<16xf32>
          %lt3A_276 = arith.cmpf olt, %get3A_275, %min3A_217 : vector<16xf32>
          %min3A_277 = arith.minimumf %get3A_275, %min3A_217 : vector<16xf32>
          %select_n3A_278 = arith.select %lt3A_276, %broadcast_in_dim3A_250, %select_n3A_218 : vector<16xi1>, vector<16xi32>
          %get3A_279 = arith.index_cast %scan3A_248 : i32 to index
          %get3A_280 = arith.constant 64 : index
          %get3A_281 = tpu.vector_load %arg5[%get3A_279, %get3A_280] {strides = array<i32>} : memref<256x128xf32, #tpu.memory_space<vmem>>, vector<1x16xf32>,
          %get3A_282 = vector.shape_cast %get3A_281 : vector<1x16xf32> to vector<16xf32>
          %lt3A_283 = arith.cmpf olt, %get3A_282, %min3A_224 : vector<16xf32>
          %min3A_284 = arith.minimumf %get3A_282, %min3A_224 : vector<16xf32>
          %select_n3A_285 = arith.select %lt3A_283, %broadcast_in_dim3A_250, %select_n3A_225 : vector<16xi1>, vector<16xi32>
          %get3A_286 = arith.index_cast %scan3A_248 : i32 to index
          %get3A_287 = arith.constant 80 : index
          %get3A_288 = tpu.vector_load %arg5[%get3A_286, %get3A_287] {strides = array<i32>} : memref<256x128xf32, #tpu.memory_space<vmem>>, vector<1x16xf32>,
          %get3A_289 = vector.shape_cast %get3A_288 : vector<1x16xf32> to vector<16xf32>
          %lt3A_290 = arith.cmpf olt, %get3A_289, %min3A_231 : vector<16xf32>
          %min3A_291 = arith.minimumf %get3A_289, %min3A_231 : vector<16xf32>
          %select_n3A_292 = arith.select %lt3A_290, %broadcast_in_dim3A_250, %select_n3A_232 : vector<16xi1>, vector<16xi32>
          %get3A_293 = arith.index_cast %scan3A_248 : i32 to index
          %get3A_294 = arith.constant 96 : index
          %get3A_295 = tpu.vector_load %arg5[%get3A_293, %get3A_294] {strides = array<i32>} : memref<256x128xf32, #tpu.memory_space<vmem>>, vector<1x16xf32>,
          %get3A_296 = vector.shape_cast %get3A_295 : vector<1x16xf32> to vector<16xf32>
          %lt3A_297 = arith.cmpf olt, %get3A_296, %min3A_238 : vector<16xf32>
          %min3A_298 = arith.minimumf %get3A_296, %min3A_238 : vector<16xf32>
          %select_n3A_299 = arith.select %lt3A_297, %broadcast_in_dim3A_250, %select_n3A_239 : vector<16xi1>, vector<16xi32>
          %get3A_300 = arith.index_cast %scan3A_248 : i32 to index
          %get3A_301 = arith.constant 112 : index
          %get3A_302 = tpu.vector_load %arg5[%get3A_300, %get3A_301] {strides = array<i32>} : memref<256x128xf32, #tpu.memory_space<vmem>>, vector<1x16xf32>,
          %get3A_303 = vector.shape_cast %get3A_302 : vector<1x16xf32> to vector<16xf32>
          %lt3A_304 = arith.cmpf olt, %get3A_303, %min3A_245 : vector<16xf32>
          %min3A_305 = arith.minimumf %get3A_303, %min3A_245 : vector<16xf32>
          %select_n3A_306 = arith.select %lt3A_304, %broadcast_in_dim3A_250, %select_n3A_246 : vector<16xi1>, vector<16xi32>
          %scan3A_307 = arith.constant 2 : i32
          %scan3A_308 = arith.addi %scan3A_174, %scan3A_307 : i32
          %add3A_309 = arith.addi %mul3A_167, %scan3A_308 : i32
          %broadcast_in_dim3A_310 = vector.broadcast %add3A_309 : i32 to vector<16xi32>
          %get3A_311 = arith.index_cast %scan3A_308 : i32 to index
          %get3A_312 = arith.constant 0 : index
          %get3A_313 = tpu.vector_load %arg5[%get3A_311, %get3A_312] {strides = array<i32>} : memref<256x128xf32, #tpu.memory_space<vmem>>, vector<1x16xf32>,
          %get3A_314 = vector.shape_cast %get3A_313 : vector<1x16xf32> to vector<16xf32>
          %lt3A_315 = arith.cmpf olt, %get3A_314, %min3A_256 : vector<16xf32>
          %min3A_316 = arith.minimumf %get3A_314, %min3A_256 : vector<16xf32>
          %select_n3A_317 = arith.select %lt3A_315, %broadcast_in_dim3A_310, %select_n3A_257 : vector<16xi1>, vector<16xi32>
          %get3A_318 = arith.index_cast %scan3A_308 : i32 to index
          %get3A_319 = arith.constant 16 : index
          %get3A_320 = tpu.vector_load %arg5[%get3A_318, %get3A_319] {strides = array<i32>} : memref<256x128xf32, #tpu.memory_space<vmem>>, vector<1x16xf32>,
          %get3A_321 = vector.shape_cast %get3A_320 : vector<1x16xf32> to vector<16xf32>
          %lt3A_322 = arith.cmpf olt, %get3A_321, %min3A_263 : vector<16xf32>
          %min3A_323 = arith.minimumf %get3A_321, %min3A_263 : vector<16xf32>
          %select_n3A_324 = arith.select %lt3A_322, %broadcast_in_dim3A_310, %select_n3A_264 : vector<16xi1>, vector<16xi32>
          %get3A_325 = arith.index_cast %scan3A_308 : i32 to index
          %get3A_326 = arith.constant 32 : index
          %get3A_327 = tpu.vector_load %arg5[%get3A_325, %get3A_326] {strides = array<i32>} : memref<256x128xf32, #tpu.memory_space<vmem>>, vector<1x16xf32>,
          %get3A_328 = vector.shape_cast %get3A_327 : vector<1x16xf32> to vector<16xf32>
          %lt3A_329 = arith.cmpf olt, %get3A_328, %min3A_270 : vector<16xf32>
          %min3A_330 = arith.minimumf %get3A_328, %min3A_270 : vector<16xf32>
          %select_n3A_331 = arith.select %lt3A_329, %broadcast_in_dim3A_310, %select_n3A_271 : vector<16xi1>, vector<16xi32>
          %get3A_332 = arith.index_cast %scan3A_308 : i32 to index
          %get3A_333 = arith.constant 48 : index
          %get3A_334 = tpu.vector_load %arg5[%get3A_332, %get3A_333] {strides = array<i32>} : memref<256x128xf32, #tpu.memory_space<vmem>>, vector<1x16xf32>,
          %get3A_335 = vector.shape_cast %get3A_334 : vector<1x16xf32> to vector<16xf32>
          %lt3A_336 = arith.cmpf olt, %get3A_335, %min3A_277 : vector<16xf32>
          %min3A_337 = arith.minimumf %get3A_335, %min3A_277 : vector<16xf32>
          %select_n3A_338 = arith.select %lt3A_336, %broadcast_in_dim3A_310, %select_n3A_278 : vector<16xi1>, vector<16xi32>
          %get3A_339 = arith.index_cast %scan3A_308 : i32 to index
          %get3A_340 = arith.constant 64 : index
          %get3A_341 = tpu.vector_load %arg5[%get3A_339, %get3A_340] {strides = array<i32>} : memref<256x128xf32, #tpu.memory_space<vmem>>, vector<1x16xf32>,
          %get3A_342 = vector.shape_cast %get3A_341 : vector<1x16xf32> to vector<16xf32>
          %lt3A_343 = arith.cmpf olt, %get3A_342, %min3A_284 : vector<16xf32>
          %min3A_344 = arith.minimumf %get3A_342, %min3A_284 : vector<16xf32>
          %select_n3A_345 = arith.select %lt3A_343, %broadcast_in_dim3A_310, %select_n3A_285 : vector<16xi1>, vector<16xi32>
          %get3A_346 = arith.index_cast %scan3A_308 : i32 to index
          %get3A_347 = arith.constant 80 : index
          %get3A_348 = tpu.vector_load %arg5[%get3A_346, %get3A_347] {strides = array<i32>} : memref<256x128xf32, #tpu.memory_space<vmem>>, vector<1x16xf32>,
          %get3A_349 = vector.shape_cast %get3A_348 : vector<1x16xf32> to vector<16xf32>
          %lt3A_350 = arith.cmpf olt, %get3A_349, %min3A_291 : vector<16xf32>
          %min3A_351 = arith.minimumf %get3A_349, %min3A_291 : vector<16xf32>
          %select_n3A_352 = arith.select %lt3A_350, %broadcast_in_dim3A_310, %select_n3A_292 : vector<16xi1>, vector<16xi32>
          %get3A_353 = arith.index_cast %scan3A_308 : i32 to index
          %get3A_354 = arith.constant 96 : index
          %get3A_355 = tpu.vector_load %arg5[%get3A_353, %get3A_354] {strides = array<i32>} : memref<256x128xf32, #tpu.memory_space<vmem>>, vector<1x16xf32>,
          %get3A_356 = vector.shape_cast %get3A_355 : vector<1x16xf32> to vector<16xf32>
          %lt3A_357 = arith.cmpf olt, %get3A_356, %min3A_298 : vector<16xf32>
          %min3A_358 = arith.minimumf %get3A_356, %min3A_298 : vector<16xf32>
          %select_n3A_359 = arith.select %lt3A_357, %broadcast_in_dim3A_310, %select_n3A_299 : vector<16xi1>, vector<16xi32>
          %get3A_360 = arith.index_cast %scan3A_308 : i32 to index
          %get3A_361 = arith.constant 112 : index
          %get3A_362 = tpu.vector_load %arg5[%get3A_360, %get3A_361] {strides = array<i32>} : memref<256x128xf32, #tpu.memory_space<vmem>>, vector<1x16xf32>,
          %get3A_363 = vector.shape_cast %get3A_362 : vector<1x16xf32> to vector<16xf32>
          %lt3A_364 = arith.cmpf olt, %get3A_363, %min3A_305 : vector<16xf32>
          %min3A_365 = arith.minimumf %get3A_363, %min3A_305 : vector<16xf32>
          %select_n3A_366 = arith.select %lt3A_364, %broadcast_in_dim3A_310, %select_n3A_306 : vector<16xi1>, vector<16xi32>
          %scan3A_367 = arith.constant 3 : i32
          %scan3A_368 = arith.addi %scan3A_174, %scan3A_367 : i32
          %add3A_369 = arith.addi %mul3A_167, %scan3A_368 : i32
          %broadcast_in_dim3A_370 = vector.broadcast %add3A_369 : i32 to vector<16xi32>
          %get3A_371 = arith.index_cast %scan3A_368 : i32 to index
          %get3A_372 = arith.constant 0 : index
          %get3A_373 = tpu.vector_load %arg5[%get3A_371, %get3A_372] {strides = array<i32>} : memref<256x128xf32, #tpu.memory_space<vmem>>, vector<1x16xf32>,
          %get3A_374 = vector.shape_cast %get3A_373 : vector<1x16xf32> to vector<16xf32>
          %lt3A_375 = arith.cmpf olt, %get3A_374, %min3A_316 : vector<16xf32>
          %min3A_376 = arith.minimumf %get3A_374, %min3A_316 : vector<16xf32>
          %select_n3A_377 = arith.select %lt3A_375, %broadcast_in_dim3A_370, %select_n3A_317 : vector<16xi1>, vector<16xi32>
          %get3A_378 = arith.index_cast %scan3A_368 : i32 to index
          %get3A_379 = arith.constant 16 : index
          %get3A_380 = tpu.vector_load %arg5[%get3A_378, %get3A_379] {strides = array<i32>} : memref<256x128xf32, #tpu.memory_space<vmem>>, vector<1x16xf32>,
          %get3A_381 = vector.shape_cast %get3A_380 : vector<1x16xf32> to vector<16xf32>
          %lt3A_382 = arith.cmpf olt, %get3A_381, %min3A_323 : vector<16xf32>
          %min3A_383 = arith.minimumf %get3A_381, %min3A_323 : vector<16xf32>
          %select_n3A_384 = arith.select %lt3A_382, %broadcast_in_dim3A_370, %select_n3A_324 : vector<16xi1>, vector<16xi32>
          %get3A_385 = arith.index_cast %scan3A_368 : i32 to index
          %get3A_386 = arith.constant 32 : index
          %get3A_387 = tpu.vector_load %arg5[%get3A_385, %get3A_386] {strides = array<i32>} : memref<256x128xf32, #tpu.memory_space<vmem>>, vector<1x16xf32>,
          %get3A_388 = vector.shape_cast %get3A_387 : vector<1x16xf32> to vector<16xf32>
          %lt3A_389 = arith.cmpf olt, %get3A_388, %min3A_330 : vector<16xf32>
          %min3A_390 = arith.minimumf %get3A_388, %min3A_330 : vector<16xf32>
          %select_n3A_391 = arith.select %lt3A_389, %broadcast_in_dim3A_370, %select_n3A_331 : vector<16xi1>, vector<16xi32>
          %get3A_392 = arith.index_cast %scan3A_368 : i32 to index
          %get3A_393 = arith.constant 48 : index
          %get3A_394 = tpu.vector_load %arg5[%get3A_392, %get3A_393] {strides = array<i32>} : memref<256x128xf32, #tpu.memory_space<vmem>>, vector<1x16xf32>,
          %get3A_395 = vector.shape_cast %get3A_394 : vector<1x16xf32> to vector<16xf32>
          %lt3A_396 = arith.cmpf olt, %get3A_395, %min3A_337 : vector<16xf32>
          %min3A_397 = arith.minimumf %get3A_395, %min3A_337 : vector<16xf32>
          %select_n3A_398 = arith.select %lt3A_396, %broadcast_in_dim3A_370, %select_n3A_338 : vector<16xi1>, vector<16xi32>
          %get3A_399 = arith.index_cast %scan3A_368 : i32 to index
          %get3A_400 = arith.constant 64 : index
          %get3A_401 = tpu.vector_load %arg5[%get3A_399, %get3A_400] {strides = array<i32>} : memref<256x128xf32, #tpu.memory_space<vmem>>, vector<1x16xf32>,
          %get3A_402 = vector.shape_cast %get3A_401 : vector<1x16xf32> to vector<16xf32>
          %lt3A_403 = arith.cmpf olt, %get3A_402, %min3A_344 : vector<16xf32>
          %min3A_404 = arith.minimumf %get3A_402, %min3A_344 : vector<16xf32>
          %select_n3A_405 = arith.select %lt3A_403, %broadcast_in_dim3A_370, %select_n3A_345 : vector<16xi1>, vector<16xi32>
          %get3A_406 = arith.index_cast %scan3A_368 : i32 to index
          %get3A_407 = arith.constant 80 : index
          %get3A_408 = tpu.vector_load %arg5[%get3A_406, %get3A_407] {strides = array<i32>} : memref<256x128xf32, #tpu.memory_space<vmem>>, vector<1x16xf32>,
          %get3A_409 = vector.shape_cast %get3A_408 : vector<1x16xf32> to vector<16xf32>
          %lt3A_410 = arith.cmpf olt, %get3A_409, %min3A_351 : vector<16xf32>
          %min3A_411 = arith.minimumf %get3A_409, %min3A_351 : vector<16xf32>
          %select_n3A_412 = arith.select %lt3A_410, %broadcast_in_dim3A_370, %select_n3A_352 : vector<16xi1>, vector<16xi32>
          %get3A_413 = arith.index_cast %scan3A_368 : i32 to index
          %get3A_414 = arith.constant 96 : index
          %get3A_415 = tpu.vector_load %arg5[%get3A_413, %get3A_414] {strides = array<i32>} : memref<256x128xf32, #tpu.memory_space<vmem>>, vector<1x16xf32>,
          %get3A_416 = vector.shape_cast %get3A_415 : vector<1x16xf32> to vector<16xf32>
          %lt3A_417 = arith.cmpf olt, %get3A_416, %min3A_358 : vector<16xf32>
          %min3A_418 = arith.minimumf %get3A_416, %min3A_358 : vector<16xf32>
          %select_n3A_419 = arith.select %lt3A_417, %broadcast_in_dim3A_370, %select_n3A_359 : vector<16xi1>, vector<16xi32>
          %get3A_420 = arith.index_cast %scan3A_368 : i32 to index
          %get3A_421 = arith.constant 112 : index
          %get3A_422 = tpu.vector_load %arg5[%get3A_420, %get3A_421] {strides = array<i32>} : memref<256x128xf32, #tpu.memory_space<vmem>>, vector<1x16xf32>,
          %get3A_423 = vector.shape_cast %get3A_422 : vector<1x16xf32> to vector<16xf32>
          %lt3A_424 = arith.cmpf olt, %get3A_423, %min3A_365 : vector<16xf32>
          %min3A_425 = arith.minimumf %get3A_423, %min3A_365 : vector<16xf32>
          %select_n3A_426 = arith.select %lt3A_424, %broadcast_in_dim3A_370, %select_n3A_366 : vector<16xi1>, vector<16xi32>
          scf.yield %min3A_376, %min3A_383, %min3A_390, %min3A_397, %min3A_404, %min3A_411, %min3A_418, %min3A_425, %select_n3A_377, %select_n3A_384, %select_n3A_391, %select_n3A_398, %select_n3A_405, %select_n3A_412, %select_n3A_419, %select_n3A_426 : vector<16xf32>, vector<16xf32>, vector<16xf32>, vector<16xf32>, vector<16xf32>, vector<16xf32>, vector<16xf32>, vector<16xf32>, vector<16xi32>, vector<16xi32>, vector<16xi32>, vector<16xi32>, vector<16xi32>, vector<16xi32>, vector<16xi32>, vector<16xi32>
        }
        %scan3A_173 = arith.constant 256 : i32
        scf.yield %scan3A_172#0, %scan3A_172#1, %scan3A_172#2, %scan3A_172#3, %scan3A_172#4, %scan3A_172#5, %scan3A_172#6, %scan3A_172#7, %scan3A_172#8, %scan3A_172#9, %scan3A_172#10, %scan3A_172#11, %scan3A_172#12, %scan3A_172#13, %scan3A_172#14, %scan3A_172#15 : vector<16xf32>, vector<16xf32>, vector<16xf32>, vector<16xf32>, vector<16xf32>, vector<16xf32>, vector<16xf32>, vector<16xf32>, vector<16xi32>, vector<16xi32>, vector<16xi32>, vector<16xi32>, vector<16xi32>, vector<16xi32>, vector<16xi32>, vector<16xi32>
      }
      %scan3A_78 = arith.constant 16 : i32
      %swap3A = arith.constant 0 : index
      %swap3A_79 = tpu.vector_load %arg6[%swap3A] {strides = array<i32>} : memref<128xi32, #tpu.memory_space<vmem>>, vector<16xi32>,
      %swap3A_80 = vector.shape_cast %swap3A_79 : vector<16xi32> to vector<16xi32>
      %swap3A_81 = vector.shape_cast %scan3A_77#8 : vector<16xi32> to vector<16xi32>
      tpu.vector_store %arg6[%swap3A], %swap3A_81 {strides = array<i32>} : memref<128xi32, #tpu.memory_space<vmem>>, vector<16xi32>,
      %swap3A_82 = arith.constant 16 : index
      %swap3A_83 = tpu.vector_load %arg6[%swap3A_82] {strides = array<i32>} : memref<128xi32, #tpu.memory_space<vmem>>, vector<16xi32>,
      %swap3A_84 = vector.shape_cast %swap3A_83 : vector<16xi32> to vector<16xi32>
      %swap3A_85 = vector.shape_cast %scan3A_77#9 : vector<16xi32> to vector<16xi32>
      tpu.vector_store %arg6[%swap3A_82], %swap3A_85 {strides = array<i32>} : memref<128xi32, #tpu.memory_space<vmem>>, vector<16xi32>,
      %swap3A_86 = arith.constant 32 : index
      %swap3A_87 = tpu.vector_load %arg6[%swap3A_86] {strides = array<i32>} : memref<128xi32, #tpu.memory_space<vmem>>, vector<16xi32>,
      %swap3A_88 = vector.shape_cast %swap3A_87 : vector<16xi32> to vector<16xi32>
      %swap3A_89 = vector.shape_cast %scan3A_77#10 : vector<16xi32> to vector<16xi32>
      tpu.vector_store %arg6[%swap3A_86], %swap3A_89 {strides = array<i32>} : memref<128xi32, #tpu.memory_space<vmem>>, vector<16xi32>,
      %swap3A_90 = arith.constant 48 : index
      %swap3A_91 = tpu.vector_load %arg6[%swap3A_90] {strides = array<i32>} : memref<128xi32, #tpu.memory_space<vmem>>, vector<16xi32>,
      %swap3A_92 = vector.shape_cast %swap3A_91 : vector<16xi32> to vector<16xi32>
      %swap3A_93 = vector.shape_cast %scan3A_77#11 : vector<16xi32> to vector<16xi32>
      tpu.vector_store %arg6[%swap3A_90], %swap3A_93 {strides = array<i32>} : memref<128xi32, #tpu.memory_space<vmem>>, vector<16xi32>,
      %swap3A_94 = arith.constant 64 : index
      %swap3A_95 = tpu.vector_load %arg6[%swap3A_94] {strides = array<i32>} : memref<128xi32, #tpu.memory_space<vmem>>, vector<16xi32>,
      %swap3A_96 = vector.shape_cast %swap3A_95 : vector<16xi32> to vector<16xi32>
      %swap3A_97 = vector.shape_cast %scan3A_77#12 : vector<16xi32> to vector<16xi32>
      tpu.vector_store %arg6[%swap3A_94], %swap3A_97 {strides = array<i32>} : memref<128xi32, #tpu.memory_space<vmem>>, vector<16xi32>,
      %swap3A_98 = arith.constant 80 : index
      %swap3A_99 = tpu.vector_load %arg6[%swap3A_98] {strides = array<i32>} : memref<128xi32, #tpu.memory_space<vmem>>, vector<16xi32>,
      %swap3A_100 = vector.shape_cast %swap3A_99 : vector<16xi32> to vector<16xi32>
      %swap3A_101 = vector.shape_cast %scan3A_77#13 : vector<16xi32> to vector<16xi32>
      tpu.vector_store %arg6[%swap3A_98], %swap3A_101 {strides = array<i32>} : memref<128xi32, #tpu.memory_space<vmem>>, vector<16xi32>,
      %swap3A_102 = arith.constant 96 : index
      %swap3A_103 = tpu.vector_load %arg6[%swap3A_102] {strides = array<i32>} : memref<128xi32, #tpu.memory_space<vmem>>, vector<16xi32>,
      %swap3A_104 = vector.shape_cast %swap3A_103 : vector<16xi32> to vector<16xi32>
      %swap3A_105 = vector.shape_cast %scan3A_77#14 : vector<16xi32> to vector<16xi32>
      tpu.vector_store %arg6[%swap3A_102], %swap3A_105 {strides = array<i32>} : memref<128xi32, #tpu.memory_space<vmem>>, vector<16xi32>,
      %swap3A_106 = arith.constant 112 : index
      %swap3A_107 = tpu.vector_load %arg6[%swap3A_106] {strides = array<i32>} : memref<128xi32, #tpu.memory_space<vmem>>, vector<16xi32>,
      %swap3A_108 = vector.shape_cast %swap3A_107 : vector<16xi32> to vector<16xi32>
      %swap3A_109 = vector.shape_cast %scan3A_77#15 : vector<16xi32> to vector<16xi32>
      tpu.vector_store %arg6[%swap3A_106], %swap3A_109 {strides = array<i32>} : memref<128xi32, #tpu.memory_space<vmem>>, vector<16xi32>,
      "tpu.region"() ({
        %run_scoped3A = tpu.sem_alloc : memref<!tpu.dma_semaphore, #tpu.memory_space<semaphore_mem>>
        %dma_start3A = tpu.memref_slice %arg3[%mul3A_2] : memref<4096xi32, #tpu.memory_space<hbm>> -> memref<128xi32, #tpu.memory_space<hbm>>
        %dma_start3A_110 = tpu.memref_slice %arg3[%mul3A_2] : memref<4096xi32, #tpu.memory_space<hbm>> -> memref<128xi32, #tpu.memory_space<hbm>>
        tpu.enqueue_dma source(%arg6 : memref<128xi32, #tpu.memory_space<vmem>>) target(%dma_start3A_110 : memref<128xi32, #tpu.memory_space<hbm>>) target_semaphore(%run_scoped3A : memref<!tpu.dma_semaphore, #tpu.memory_space<semaphore_mem>>)
        %dma_wait3A = tpu.memref_slice %arg3[%mul3A_2] : memref<4096xi32, #tpu.memory_space<hbm>> -> memref<128xi32, #tpu.memory_space<hbm>>
        %dma_wait3A_111 = tpu.memref_slice %arg3[%mul3A_2] : memref<4096xi32, #tpu.memory_space<hbm>> -> memref<128xi32, #tpu.memory_space<hbm>>
        tpu.wait_dma2 semaphore(%run_scoped3A : memref<!tpu.dma_semaphore, #tpu.memory_space<semaphore_mem>>) src(%arg6 : memref<128xi32, #tpu.memory_space<vmem>>) dst(%dma_wait3A_111 : memref<128xi32, #tpu.memory_space<hbm>>)
        tpu.yield
      }) : () -> ()
    } else {
    }
    return
  }
}

module attributes {stable_mosaic.version = 14 : i64} {
  func.func @_argmin_tc_body(%arg0: i32, %arg1: i32, %arg2: memref<1x512x2048xf32, #tpu.memory_space<vmem>>, %arg3: memref<1x1x2048xi32, #tpu.memory_space<vmem>>, %arg4: memref<1x2048xf32, #tpu.memory_space<vmem>>, %arg5: memref<1x2048xf32, #tpu.memory_space<vmem>>, %arg6: memref<512x2048xf32, #tpu.memory_space<vmem>>) attributes {dimension_semantics = [#tpu.dimension_semantics<arbitrary>, #tpu.dimension_semantics<arbitrary>], iteration_bounds = array<i64: 2, 16>, scalar_prefetch = 0 : i64, scratch_operands = 3 : i64, tpu.core_type = #tpu.core_type<tc>, window_params = [{transform_indices = @transform_0, window_bounds = array<i64: 1, 512, 2048>}, {transform_indices = @transform_1, window_bounds = array<i64: 1, 1, 2048>}]} {
    %eq3A = arith.constant 0 : i32
    %eq3A_0 = arith.cmpi eq, %arg0, %eq3A : i32
    %eq3A_1 = arith.constant 0 : i32
    %eq3A_2 = arith.cmpi eq, %arg1, %eq3A_1 : i32
    %and3A = arith.andi %eq3A_0, %eq3A_2 : i1
    %convert_element_type3A = arith.extui %and3A : i1 to i32
    %cond3A = arith.constant 0 : i32
    %cond3A_3 = arith.cmpi ne, %convert_element_type3A, %cond3A : i32
    scf.if %cond3A_3 {
      %iota3A = tpu.iota {dimensions = array<i32: 0>} : vector<512x2048xi32>
      %convert_element_type3A_451 = arith.sitofp %iota3A : vector<512x2048xi32> to vector<512x2048xf32>
      %swap3A_452 = arith.constant 0 : index
      %swap3A_453 = arith.constant 0 : index
      %swap3A_454 = vector.load %arg6[%swap3A_452, %swap3A_453] : memref<512x2048xf32, #tpu.memory_space<vmem>>, vector<512x2048xf32>
      tpu.vector_store %arg6[%swap3A_452, %swap3A_453], %convert_element_type3A_451 {strides = array<i32>} : memref<512x2048xf32, #tpu.memory_space<vmem>>, vector<512x2048xf32>,
    } else {
    }
    %eq3A_4 = arith.constant 0 : i32
    %eq3A_5 = arith.cmpi eq, %arg1, %eq3A_4 : i32
    %convert_element_type3A_6 = arith.extui %eq3A_5 : i1 to i32
    %cond3A_7 = arith.constant 0 : i32
    %cond3A_8 = arith.cmpi ne, %convert_element_type3A_6, %cond3A_7 : i32
    scf.if %cond3A_8 {
      %broadcast_in_dim3A_451 = arith.constant 0x7F800000 : f32
      %broadcast_in_dim3A_452 = vector.broadcast %broadcast_in_dim3A_451 : f32 to vector<1x2048xf32>
      %swap3A_453 = arith.constant 0 : index
      %swap3A_454 = arith.constant 0 : index
      %swap3A_455 = vector.load %arg4[%swap3A_453, %swap3A_454] : memref<1x2048xf32, #tpu.memory_space<vmem>>, vector<1x2048xf32>
      tpu.vector_store %arg4[%swap3A_453, %swap3A_454], %broadcast_in_dim3A_452 {strides = array<i32>} : memref<1x2048xf32, #tpu.memory_space<vmem>>, vector<1x2048xf32>,
      %broadcast_in_dim3A_456 = arith.constant 0.000000e+00 : f32
      %broadcast_in_dim3A_457 = vector.broadcast %broadcast_in_dim3A_456 : f32 to vector<1x2048xf32>
      %swap3A_458 = arith.constant 0 : index
      %swap3A_459 = arith.constant 0 : index
      %swap3A_460 = vector.load %arg5[%swap3A_458, %swap3A_459] : memref<1x2048xf32, #tpu.memory_space<vmem>>, vector<1x2048xf32>
      tpu.vector_store %arg5[%swap3A_458, %swap3A_459], %broadcast_in_dim3A_457 {strides = array<i32>} : memref<1x2048xf32, #tpu.memory_space<vmem>>, vector<1x2048xf32>,
    } else {
    }
    %get3A = arith.constant 0 : index
    %get3A_9 = arith.constant 0 : index
    %get3A_10 = arith.constant 0 : index
    %get3A_11 = vector.load %arg2[%get3A, %get3A_9, %get3A_10] : memref<1x512x2048xf32, #tpu.memory_space<vmem>>, vector<1x512x2048xf32>
    %get3A_12 = vector.shape_cast %get3A_11 : vector<1x512x2048xf32> to vector<512x2048xf32>
    %reduce_min3A = arith.constant dense<0x7F800000> : vector<2048xf32>
    %reduce_min3A_13 = vector.multi_reduction <minimumf>, %get3A_12, %reduce_min3A [0] : vector<512x2048xf32> to vector<2048xf32>
    %broadcast_in_dim3A = vector.shape_cast %reduce_min3A_13 : vector<2048xf32> to vector<1x2048xf32>
    %broadcast_in_dim3A_14 = arith.constant 1.638400e+04 : f32
    %broadcast_in_dim3A_15 = vector.broadcast %broadcast_in_dim3A_14 : f32 to vector<1x2048xf32>
    %slice3A = vector.extract_strided_slice %get3A_12 {offsets = [0, 0], sizes = [16, 2048], strides = [1, 1]} : vector<512x2048xf32> to vector<16x2048xf32>
    %get3A_16 = arith.constant 0 : index
    %get3A_17 = arith.constant 0 : index
    %get3A_18 = vector.load %arg6[%get3A_16, %get3A_17] : memref<512x2048xf32, #tpu.memory_space<vmem>>, vector<16x2048xf32>
    %eq3A_19 = vector.broadcast %broadcast_in_dim3A : vector<1x2048xf32> to vector<16x2048xf32>
    %eq3A_20 = arith.cmpf oeq, %slice3A, %eq3A_19 : vector<16x2048xf32>
    %jit3A = arith.constant 1.638400e+04 : f32
    %broadcast_in_dim3A_21 = vector.broadcast %jit3A : f32 to vector<16x2048xf32>
    %select_n3A = arith.select %eq3A_20, %get3A_18, %broadcast_in_dim3A_21 : vector<16x2048xi1>, vector<16x2048xf32>
    %reduce_min3A_22 = arith.constant dense<0x7F800000> : vector<2048xf32>
    %reduce_min3A_23 = vector.multi_reduction <minimumf>, %select_n3A, %reduce_min3A_22 [0] : vector<16x2048xf32> to vector<2048xf32>
    %broadcast_in_dim3A_24 = vector.shape_cast %reduce_min3A_23 : vector<2048xf32> to vector<1x2048xf32>
    %min3A = arith.minimumf %broadcast_in_dim3A_15, %broadcast_in_dim3A_24 : vector<1x2048xf32>
    %slice3A_25 = vector.extract_strided_slice %get3A_12 {offsets = [16, 0], sizes = [16, 2048], strides = [1, 1]} : vector<512x2048xf32> to vector<16x2048xf32>
    %get3A_26 = arith.constant 16 : index
    %get3A_27 = arith.constant 0 : index
    %get3A_28 = vector.load %arg6[%get3A_26, %get3A_27] : memref<512x2048xf32, #tpu.memory_space<vmem>>, vector<16x2048xf32>
    %eq3A_29 = vector.broadcast %broadcast_in_dim3A : vector<1x2048xf32> to vector<16x2048xf32>
    %eq3A_30 = arith.cmpf oeq, %slice3A_25, %eq3A_29 : vector<16x2048xf32>
    %jit3A_31 = arith.constant 1.638400e+04 : f32
    %broadcast_in_dim3A_32 = vector.broadcast %jit3A_31 : f32 to vector<16x2048xf32>
    %select_n3A_33 = arith.select %eq3A_30, %get3A_28, %broadcast_in_dim3A_32 : vector<16x2048xi1>, vector<16x2048xf32>
    %reduce_min3A_34 = arith.constant dense<0x7F800000> : vector<2048xf32>
    %reduce_min3A_35 = vector.multi_reduction <minimumf>, %select_n3A_33, %reduce_min3A_34 [0] : vector<16x2048xf32> to vector<2048xf32>
    %broadcast_in_dim3A_36 = vector.shape_cast %reduce_min3A_35 : vector<2048xf32> to vector<1x2048xf32>
    %min3A_37 = arith.minimumf %min3A, %broadcast_in_dim3A_36 : vector<1x2048xf32>
    %slice3A_38 = vector.extract_strided_slice %get3A_12 {offsets = [32, 0], sizes = [16, 2048], strides = [1, 1]} : vector<512x2048xf32> to vector<16x2048xf32>
    %get3A_39 = arith.constant 32 : index
    %get3A_40 = arith.constant 0 : index
    %get3A_41 = vector.load %arg6[%get3A_39, %get3A_40] : memref<512x2048xf32, #tpu.memory_space<vmem>>, vector<16x2048xf32>
    %eq3A_42 = vector.broadcast %broadcast_in_dim3A : vector<1x2048xf32> to vector<16x2048xf32>
    %eq3A_43 = arith.cmpf oeq, %slice3A_38, %eq3A_42 : vector<16x2048xf32>
    %jit3A_44 = arith.constant 1.638400e+04 : f32
    %broadcast_in_dim3A_45 = vector.broadcast %jit3A_44 : f32 to vector<16x2048xf32>
    %select_n3A_46 = arith.select %eq3A_43, %get3A_41, %broadcast_in_dim3A_45 : vector<16x2048xi1>, vector<16x2048xf32>
    %reduce_min3A_47 = arith.constant dense<0x7F800000> : vector<2048xf32>
    %reduce_min3A_48 = vector.multi_reduction <minimumf>, %select_n3A_46, %reduce_min3A_47 [0] : vector<16x2048xf32> to vector<2048xf32>
    %broadcast_in_dim3A_49 = vector.shape_cast %reduce_min3A_48 : vector<2048xf32> to vector<1x2048xf32>
    %min3A_50 = arith.minimumf %min3A_37, %broadcast_in_dim3A_49 : vector<1x2048xf32>
    %slice3A_51 = vector.extract_strided_slice %get3A_12 {offsets = [48, 0], sizes = [16, 2048], strides = [1, 1]} : vector<512x2048xf32> to vector<16x2048xf32>
    %get3A_52 = arith.constant 48 : index
    %get3A_53 = arith.constant 0 : index
    %get3A_54 = vector.load %arg6[%get3A_52, %get3A_53] : memref<512x2048xf32, #tpu.memory_space<vmem>>, vector<16x2048xf32>
    %eq3A_55 = vector.broadcast %broadcast_in_dim3A : vector<1x2048xf32> to vector<16x2048xf32>
    %eq3A_56 = arith.cmpf oeq, %slice3A_51, %eq3A_55 : vector<16x2048xf32>
    %jit3A_57 = arith.constant 1.638400e+04 : f32
    %broadcast_in_dim3A_58 = vector.broadcast %jit3A_57 : f32 to vector<16x2048xf32>
    %select_n3A_59 = arith.select %eq3A_56, %get3A_54, %broadcast_in_dim3A_58 : vector<16x2048xi1>, vector<16x2048xf32>
    %reduce_min3A_60 = arith.constant dense<0x7F800000> : vector<2048xf32>
    %reduce_min3A_61 = vector.multi_reduction <minimumf>, %select_n3A_59, %reduce_min3A_60 [0] : vector<16x2048xf32> to vector<2048xf32>
    %broadcast_in_dim3A_62 = vector.shape_cast %reduce_min3A_61 : vector<2048xf32> to vector<1x2048xf32>
    %min3A_63 = arith.minimumf %min3A_50, %broadcast_in_dim3A_62 : vector<1x2048xf32>
    %slice3A_64 = vector.extract_strided_slice %get3A_12 {offsets = [64, 0], sizes = [16, 2048], strides = [1, 1]} : vector<512x2048xf32> to vector<16x2048xf32>
    %get3A_65 = arith.constant 64 : index
    %get3A_66 = arith.constant 0 : index
    %get3A_67 = vector.load %arg6[%get3A_65, %get3A_66] : memref<512x2048xf32, #tpu.memory_space<vmem>>, vector<16x2048xf32>
    %eq3A_68 = vector.broadcast %broadcast_in_dim3A : vector<1x2048xf32> to vector<16x2048xf32>
    %eq3A_69 = arith.cmpf oeq, %slice3A_64, %eq3A_68 : vector<16x2048xf32>
    %jit3A_70 = arith.constant 1.638400e+04 : f32
    %broadcast_in_dim3A_71 = vector.broadcast %jit3A_70 : f32 to vector<16x2048xf32>
    %select_n3A_72 = arith.select %eq3A_69, %get3A_67, %broadcast_in_dim3A_71 : vector<16x2048xi1>, vector<16x2048xf32>
    %reduce_min3A_73 = arith.constant dense<0x7F800000> : vector<2048xf32>
    %reduce_min3A_74 = vector.multi_reduction <minimumf>, %select_n3A_72, %reduce_min3A_73 [0] : vector<16x2048xf32> to vector<2048xf32>
    %broadcast_in_dim3A_75 = vector.shape_cast %reduce_min3A_74 : vector<2048xf32> to vector<1x2048xf32>
    %min3A_76 = arith.minimumf %min3A_63, %broadcast_in_dim3A_75 : vector<1x2048xf32>
    %slice3A_77 = vector.extract_strided_slice %get3A_12 {offsets = [80, 0], sizes = [16, 2048], strides = [1, 1]} : vector<512x2048xf32> to vector<16x2048xf32>
    %get3A_78 = arith.constant 80 : index
    %get3A_79 = arith.constant 0 : index
    %get3A_80 = vector.load %arg6[%get3A_78, %get3A_79] : memref<512x2048xf32, #tpu.memory_space<vmem>>, vector<16x2048xf32>
    %eq3A_81 = vector.broadcast %broadcast_in_dim3A : vector<1x2048xf32> to vector<16x2048xf32>
    %eq3A_82 = arith.cmpf oeq, %slice3A_77, %eq3A_81 : vector<16x2048xf32>
    %jit3A_83 = arith.constant 1.638400e+04 : f32
    %broadcast_in_dim3A_84 = vector.broadcast %jit3A_83 : f32 to vector<16x2048xf32>
    %select_n3A_85 = arith.select %eq3A_82, %get3A_80, %broadcast_in_dim3A_84 : vector<16x2048xi1>, vector<16x2048xf32>
    %reduce_min3A_86 = arith.constant dense<0x7F800000> : vector<2048xf32>
    %reduce_min3A_87 = vector.multi_reduction <minimumf>, %select_n3A_85, %reduce_min3A_86 [0] : vector<16x2048xf32> to vector<2048xf32>
    %broadcast_in_dim3A_88 = vector.shape_cast %reduce_min3A_87 : vector<2048xf32> to vector<1x2048xf32>
    %min3A_89 = arith.minimumf %min3A_76, %broadcast_in_dim3A_88 : vector<1x2048xf32>
    %slice3A_90 = vector.extract_strided_slice %get3A_12 {offsets = [96, 0], sizes = [16, 2048], strides = [1, 1]} : vector<512x2048xf32> to vector<16x2048xf32>
    %get3A_91 = arith.constant 96 : index
    %get3A_92 = arith.constant 0 : index
    %get3A_93 = vector.load %arg6[%get3A_91, %get3A_92] : memref<512x2048xf32, #tpu.memory_space<vmem>>, vector<16x2048xf32>
    %eq3A_94 = vector.broadcast %broadcast_in_dim3A : vector<1x2048xf32> to vector<16x2048xf32>
    %eq3A_95 = arith.cmpf oeq, %slice3A_90, %eq3A_94 : vector<16x2048xf32>
    %jit3A_96 = arith.constant 1.638400e+04 : f32
    %broadcast_in_dim3A_97 = vector.broadcast %jit3A_96 : f32 to vector<16x2048xf32>
    %select_n3A_98 = arith.select %eq3A_95, %get3A_93, %broadcast_in_dim3A_97 : vector<16x2048xi1>, vector<16x2048xf32>
    %reduce_min3A_99 = arith.constant dense<0x7F800000> : vector<2048xf32>
    %reduce_min3A_100 = vector.multi_reduction <minimumf>, %select_n3A_98, %reduce_min3A_99 [0] : vector<16x2048xf32> to vector<2048xf32>
    %broadcast_in_dim3A_101 = vector.shape_cast %reduce_min3A_100 : vector<2048xf32> to vector<1x2048xf32>
    %min3A_102 = arith.minimumf %min3A_89, %broadcast_in_dim3A_101 : vector<1x2048xf32>
    %slice3A_103 = vector.extract_strided_slice %get3A_12 {offsets = [112, 0], sizes = [16, 2048], strides = [1, 1]} : vector<512x2048xf32> to vector<16x2048xf32>
    %get3A_104 = arith.constant 112 : index
    %get3A_105 = arith.constant 0 : index
    %get3A_106 = vector.load %arg6[%get3A_104, %get3A_105] : memref<512x2048xf32, #tpu.memory_space<vmem>>, vector<16x2048xf32>
    %eq3A_107 = vector.broadcast %broadcast_in_dim3A : vector<1x2048xf32> to vector<16x2048xf32>
    %eq3A_108 = arith.cmpf oeq, %slice3A_103, %eq3A_107 : vector<16x2048xf32>
    %jit3A_109 = arith.constant 1.638400e+04 : f32
    %broadcast_in_dim3A_110 = vector.broadcast %jit3A_109 : f32 to vector<16x2048xf32>
    %select_n3A_111 = arith.select %eq3A_108, %get3A_106, %broadcast_in_dim3A_110 : vector<16x2048xi1>, vector<16x2048xf32>
    %reduce_min3A_112 = arith.constant dense<0x7F800000> : vector<2048xf32>
    %reduce_min3A_113 = vector.multi_reduction <minimumf>, %select_n3A_111, %reduce_min3A_112 [0] : vector<16x2048xf32> to vector<2048xf32>
    %broadcast_in_dim3A_114 = vector.shape_cast %reduce_min3A_113 : vector<2048xf32> to vector<1x2048xf32>
    %min3A_115 = arith.minimumf %min3A_102, %broadcast_in_dim3A_114 : vector<1x2048xf32>
    %slice3A_116 = vector.extract_strided_slice %get3A_12 {offsets = [128, 0], sizes = [16, 2048], strides = [1, 1]} : vector<512x2048xf32> to vector<16x2048xf32>
    %get3A_117 = arith.constant 128 : index
    %get3A_118 = arith.constant 0 : index
    %get3A_119 = vector.load %arg6[%get3A_117, %get3A_118] : memref<512x2048xf32, #tpu.memory_space<vmem>>, vector<16x2048xf32>
    %eq3A_120 = vector.broadcast %broadcast_in_dim3A : vector<1x2048xf32> to vector<16x2048xf32>
    %eq3A_121 = arith.cmpf oeq, %slice3A_116, %eq3A_120 : vector<16x2048xf32>
    %jit3A_122 = arith.constant 1.638400e+04 : f32
    %broadcast_in_dim3A_123 = vector.broadcast %jit3A_122 : f32 to vector<16x2048xf32>
    %select_n3A_124 = arith.select %eq3A_121, %get3A_119, %broadcast_in_dim3A_123 : vector<16x2048xi1>, vector<16x2048xf32>
    %reduce_min3A_125 = arith.constant dense<0x7F800000> : vector<2048xf32>
    %reduce_min3A_126 = vector.multi_reduction <minimumf>, %select_n3A_124, %reduce_min3A_125 [0] : vector<16x2048xf32> to vector<2048xf32>
    %broadcast_in_dim3A_127 = vector.shape_cast %reduce_min3A_126 : vector<2048xf32> to vector<1x2048xf32>
    %min3A_128 = arith.minimumf %min3A_115, %broadcast_in_dim3A_127 : vector<1x2048xf32>
    %slice3A_129 = vector.extract_strided_slice %get3A_12 {offsets = [144, 0], sizes = [16, 2048], strides = [1, 1]} : vector<512x2048xf32> to vector<16x2048xf32>
    %get3A_130 = arith.constant 144 : index
    %get3A_131 = arith.constant 0 : index
    %get3A_132 = vector.load %arg6[%get3A_130, %get3A_131] : memref<512x2048xf32, #tpu.memory_space<vmem>>, vector<16x2048xf32>
    %eq3A_133 = vector.broadcast %broadcast_in_dim3A : vector<1x2048xf32> to vector<16x2048xf32>
    %eq3A_134 = arith.cmpf oeq, %slice3A_129, %eq3A_133 : vector<16x2048xf32>
    %jit3A_135 = arith.constant 1.638400e+04 : f32
    %broadcast_in_dim3A_136 = vector.broadcast %jit3A_135 : f32 to vector<16x2048xf32>
    %select_n3A_137 = arith.select %eq3A_134, %get3A_132, %broadcast_in_dim3A_136 : vector<16x2048xi1>, vector<16x2048xf32>
    %reduce_min3A_138 = arith.constant dense<0x7F800000> : vector<2048xf32>
    %reduce_min3A_139 = vector.multi_reduction <minimumf>, %select_n3A_137, %reduce_min3A_138 [0] : vector<16x2048xf32> to vector<2048xf32>
    %broadcast_in_dim3A_140 = vector.shape_cast %reduce_min3A_139 : vector<2048xf32> to vector<1x2048xf32>
    %min3A_141 = arith.minimumf %min3A_128, %broadcast_in_dim3A_140 : vector<1x2048xf32>
    %slice3A_142 = vector.extract_strided_slice %get3A_12 {offsets = [160, 0], sizes = [16, 2048], strides = [1, 1]} : vector<512x2048xf32> to vector<16x2048xf32>
    %get3A_143 = arith.constant 160 : index
    %get3A_144 = arith.constant 0 : index
    %get3A_145 = vector.load %arg6[%get3A_143, %get3A_144] : memref<512x2048xf32, #tpu.memory_space<vmem>>, vector<16x2048xf32>
    %eq3A_146 = vector.broadcast %broadcast_in_dim3A : vector<1x2048xf32> to vector<16x2048xf32>
    %eq3A_147 = arith.cmpf oeq, %slice3A_142, %eq3A_146 : vector<16x2048xf32>
    %jit3A_148 = arith.constant 1.638400e+04 : f32
    %broadcast_in_dim3A_149 = vector.broadcast %jit3A_148 : f32 to vector<16x2048xf32>
    %select_n3A_150 = arith.select %eq3A_147, %get3A_145, %broadcast_in_dim3A_149 : vector<16x2048xi1>, vector<16x2048xf32>
    %reduce_min3A_151 = arith.constant dense<0x7F800000> : vector<2048xf32>
    %reduce_min3A_152 = vector.multi_reduction <minimumf>, %select_n3A_150, %reduce_min3A_151 [0] : vector<16x2048xf32> to vector<2048xf32>
    %broadcast_in_dim3A_153 = vector.shape_cast %reduce_min3A_152 : vector<2048xf32> to vector<1x2048xf32>
    %min3A_154 = arith.minimumf %min3A_141, %broadcast_in_dim3A_153 : vector<1x2048xf32>
    %slice3A_155 = vector.extract_strided_slice %get3A_12 {offsets = [176, 0], sizes = [16, 2048], strides = [1, 1]} : vector<512x2048xf32> to vector<16x2048xf32>
    %get3A_156 = arith.constant 176 : index
    %get3A_157 = arith.constant 0 : index
    %get3A_158 = vector.load %arg6[%get3A_156, %get3A_157] : memref<512x2048xf32, #tpu.memory_space<vmem>>, vector<16x2048xf32>
    %eq3A_159 = vector.broadcast %broadcast_in_dim3A : vector<1x2048xf32> to vector<16x2048xf32>
    %eq3A_160 = arith.cmpf oeq, %slice3A_155, %eq3A_159 : vector<16x2048xf32>
    %jit3A_161 = arith.constant 1.638400e+04 : f32
    %broadcast_in_dim3A_162 = vector.broadcast %jit3A_161 : f32 to vector<16x2048xf32>
    %select_n3A_163 = arith.select %eq3A_160, %get3A_158, %broadcast_in_dim3A_162 : vector<16x2048xi1>, vector<16x2048xf32>
    %reduce_min3A_164 = arith.constant dense<0x7F800000> : vector<2048xf32>
    %reduce_min3A_165 = vector.multi_reduction <minimumf>, %select_n3A_163, %reduce_min3A_164 [0] : vector<16x2048xf32> to vector<2048xf32>
    %broadcast_in_dim3A_166 = vector.shape_cast %reduce_min3A_165 : vector<2048xf32> to vector<1x2048xf32>
    %min3A_167 = arith.minimumf %min3A_154, %broadcast_in_dim3A_166 : vector<1x2048xf32>
    %slice3A_168 = vector.extract_strided_slice %get3A_12 {offsets = [192, 0], sizes = [16, 2048], strides = [1, 1]} : vector<512x2048xf32> to vector<16x2048xf32>
    %get3A_169 = arith.constant 192 : index
    %get3A_170 = arith.constant 0 : index
    %get3A_171 = vector.load %arg6[%get3A_169, %get3A_170] : memref<512x2048xf32, #tpu.memory_space<vmem>>, vector<16x2048xf32>
    %eq3A_172 = vector.broadcast %broadcast_in_dim3A : vector<1x2048xf32> to vector<16x2048xf32>
    %eq3A_173 = arith.cmpf oeq, %slice3A_168, %eq3A_172 : vector<16x2048xf32>
    %jit3A_174 = arith.constant 1.638400e+04 : f32
    %broadcast_in_dim3A_175 = vector.broadcast %jit3A_174 : f32 to vector<16x2048xf32>
    %select_n3A_176 = arith.select %eq3A_173, %get3A_171, %broadcast_in_dim3A_175 : vector<16x2048xi1>, vector<16x2048xf32>
    %reduce_min3A_177 = arith.constant dense<0x7F800000> : vector<2048xf32>
    %reduce_min3A_178 = vector.multi_reduction <minimumf>, %select_n3A_176, %reduce_min3A_177 [0] : vector<16x2048xf32> to vector<2048xf32>
    %broadcast_in_dim3A_179 = vector.shape_cast %reduce_min3A_178 : vector<2048xf32> to vector<1x2048xf32>
    %min3A_180 = arith.minimumf %min3A_167, %broadcast_in_dim3A_179 : vector<1x2048xf32>
    %slice3A_181 = vector.extract_strided_slice %get3A_12 {offsets = [208, 0], sizes = [16, 2048], strides = [1, 1]} : vector<512x2048xf32> to vector<16x2048xf32>
    %get3A_182 = arith.constant 208 : index
    %get3A_183 = arith.constant 0 : index
    %get3A_184 = vector.load %arg6[%get3A_182, %get3A_183] : memref<512x2048xf32, #tpu.memory_space<vmem>>, vector<16x2048xf32>
    %eq3A_185 = vector.broadcast %broadcast_in_dim3A : vector<1x2048xf32> to vector<16x2048xf32>
    %eq3A_186 = arith.cmpf oeq, %slice3A_181, %eq3A_185 : vector<16x2048xf32>
    %jit3A_187 = arith.constant 1.638400e+04 : f32
    %broadcast_in_dim3A_188 = vector.broadcast %jit3A_187 : f32 to vector<16x2048xf32>
    %select_n3A_189 = arith.select %eq3A_186, %get3A_184, %broadcast_in_dim3A_188 : vector<16x2048xi1>, vector<16x2048xf32>
    %reduce_min3A_190 = arith.constant dense<0x7F800000> : vector<2048xf32>
    %reduce_min3A_191 = vector.multi_reduction <minimumf>, %select_n3A_189, %reduce_min3A_190 [0] : vector<16x2048xf32> to vector<2048xf32>
    %broadcast_in_dim3A_192 = vector.shape_cast %reduce_min3A_191 : vector<2048xf32> to vector<1x2048xf32>
    %min3A_193 = arith.minimumf %min3A_180, %broadcast_in_dim3A_192 : vector<1x2048xf32>
    %slice3A_194 = vector.extract_strided_slice %get3A_12 {offsets = [224, 0], sizes = [16, 2048], strides = [1, 1]} : vector<512x2048xf32> to vector<16x2048xf32>
    %get3A_195 = arith.constant 224 : index
    %get3A_196 = arith.constant 0 : index
    %get3A_197 = vector.load %arg6[%get3A_195, %get3A_196] : memref<512x2048xf32, #tpu.memory_space<vmem>>, vector<16x2048xf32>
    %eq3A_198 = vector.broadcast %broadcast_in_dim3A : vector<1x2048xf32> to vector<16x2048xf32>
    %eq3A_199 = arith.cmpf oeq, %slice3A_194, %eq3A_198 : vector<16x2048xf32>
    %jit3A_200 = arith.constant 1.638400e+04 : f32
    %broadcast_in_dim3A_201 = vector.broadcast %jit3A_200 : f32 to vector<16x2048xf32>
    %select_n3A_202 = arith.select %eq3A_199, %get3A_197, %broadcast_in_dim3A_201 : vector<16x2048xi1>, vector<16x2048xf32>
    %reduce_min3A_203 = arith.constant dense<0x7F800000> : vector<2048xf32>
    %reduce_min3A_204 = vector.multi_reduction <minimumf>, %select_n3A_202, %reduce_min3A_203 [0] : vector<16x2048xf32> to vector<2048xf32>
    %broadcast_in_dim3A_205 = vector.shape_cast %reduce_min3A_204 : vector<2048xf32> to vector<1x2048xf32>
    %min3A_206 = arith.minimumf %min3A_193, %broadcast_in_dim3A_205 : vector<1x2048xf32>
    %slice3A_207 = vector.extract_strided_slice %get3A_12 {offsets = [240, 0], sizes = [16, 2048], strides = [1, 1]} : vector<512x2048xf32> to vector<16x2048xf32>
    %get3A_208 = arith.constant 240 : index
    %get3A_209 = arith.constant 0 : index
    %get3A_210 = vector.load %arg6[%get3A_208, %get3A_209] : memref<512x2048xf32, #tpu.memory_space<vmem>>, vector<16x2048xf32>
    %eq3A_211 = vector.broadcast %broadcast_in_dim3A : vector<1x2048xf32> to vector<16x2048xf32>
    %eq3A_212 = arith.cmpf oeq, %slice3A_207, %eq3A_211 : vector<16x2048xf32>
    %jit3A_213 = arith.constant 1.638400e+04 : f32
    %broadcast_in_dim3A_214 = vector.broadcast %jit3A_213 : f32 to vector<16x2048xf32>
    %select_n3A_215 = arith.select %eq3A_212, %get3A_210, %broadcast_in_dim3A_214 : vector<16x2048xi1>, vector<16x2048xf32>
    %reduce_min3A_216 = arith.constant dense<0x7F800000> : vector<2048xf32>
    %reduce_min3A_217 = vector.multi_reduction <minimumf>, %select_n3A_215, %reduce_min3A_216 [0] : vector<16x2048xf32> to vector<2048xf32>
    %broadcast_in_dim3A_218 = vector.shape_cast %reduce_min3A_217 : vector<2048xf32> to vector<1x2048xf32>
    %min3A_219 = arith.minimumf %min3A_206, %broadcast_in_dim3A_218 : vector<1x2048xf32>
    %slice3A_220 = vector.extract_strided_slice %get3A_12 {offsets = [256, 0], sizes = [16, 2048], strides = [1, 1]} : vector<512x2048xf32> to vector<16x2048xf32>
    %get3A_221 = arith.constant 256 : index
    %get3A_222 = arith.constant 0 : index
    %get3A_223 = vector.load %arg6[%get3A_221, %get3A_222] : memref<512x2048xf32, #tpu.memory_space<vmem>>, vector<16x2048xf32>
    %eq3A_224 = vector.broadcast %broadcast_in_dim3A : vector<1x2048xf32> to vector<16x2048xf32>
    %eq3A_225 = arith.cmpf oeq, %slice3A_220, %eq3A_224 : vector<16x2048xf32>
    %jit3A_226 = arith.constant 1.638400e+04 : f32
    %broadcast_in_dim3A_227 = vector.broadcast %jit3A_226 : f32 to vector<16x2048xf32>
    %select_n3A_228 = arith.select %eq3A_225, %get3A_223, %broadcast_in_dim3A_227 : vector<16x2048xi1>, vector<16x2048xf32>
    %reduce_min3A_229 = arith.constant dense<0x7F800000> : vector<2048xf32>
    %reduce_min3A_230 = vector.multi_reduction <minimumf>, %select_n3A_228, %reduce_min3A_229 [0] : vector<16x2048xf32> to vector<2048xf32>
    %broadcast_in_dim3A_231 = vector.shape_cast %reduce_min3A_230 : vector<2048xf32> to vector<1x2048xf32>
    %min3A_232 = arith.minimumf %min3A_219, %broadcast_in_dim3A_231 : vector<1x2048xf32>
    %slice3A_233 = vector.extract_strided_slice %get3A_12 {offsets = [272, 0], sizes = [16, 2048], strides = [1, 1]} : vector<512x2048xf32> to vector<16x2048xf32>
    %get3A_234 = arith.constant 272 : index
    %get3A_235 = arith.constant 0 : index
    %get3A_236 = vector.load %arg6[%get3A_234, %get3A_235] : memref<512x2048xf32, #tpu.memory_space<vmem>>, vector<16x2048xf32>
    %eq3A_237 = vector.broadcast %broadcast_in_dim3A : vector<1x2048xf32> to vector<16x2048xf32>
    %eq3A_238 = arith.cmpf oeq, %slice3A_233, %eq3A_237 : vector<16x2048xf32>
    %jit3A_239 = arith.constant 1.638400e+04 : f32
    %broadcast_in_dim3A_240 = vector.broadcast %jit3A_239 : f32 to vector<16x2048xf32>
    %select_n3A_241 = arith.select %eq3A_238, %get3A_236, %broadcast_in_dim3A_240 : vector<16x2048xi1>, vector<16x2048xf32>
    %reduce_min3A_242 = arith.constant dense<0x7F800000> : vector<2048xf32>
    %reduce_min3A_243 = vector.multi_reduction <minimumf>, %select_n3A_241, %reduce_min3A_242 [0] : vector<16x2048xf32> to vector<2048xf32>
    %broadcast_in_dim3A_244 = vector.shape_cast %reduce_min3A_243 : vector<2048xf32> to vector<1x2048xf32>
    %min3A_245 = arith.minimumf %min3A_232, %broadcast_in_dim3A_244 : vector<1x2048xf32>
    %slice3A_246 = vector.extract_strided_slice %get3A_12 {offsets = [288, 0], sizes = [16, 2048], strides = [1, 1]} : vector<512x2048xf32> to vector<16x2048xf32>
    %get3A_247 = arith.constant 288 : index
    %get3A_248 = arith.constant 0 : index
    %get3A_249 = vector.load %arg6[%get3A_247, %get3A_248] : memref<512x2048xf32, #tpu.memory_space<vmem>>, vector<16x2048xf32>
    %eq3A_250 = vector.broadcast %broadcast_in_dim3A : vector<1x2048xf32> to vector<16x2048xf32>
    %eq3A_251 = arith.cmpf oeq, %slice3A_246, %eq3A_250 : vector<16x2048xf32>
    %jit3A_252 = arith.constant 1.638400e+04 : f32
    %broadcast_in_dim3A_253 = vector.broadcast %jit3A_252 : f32 to vector<16x2048xf32>
    %select_n3A_254 = arith.select %eq3A_251, %get3A_249, %broadcast_in_dim3A_253 : vector<16x2048xi1>, vector<16x2048xf32>
    %reduce_min3A_255 = arith.constant dense<0x7F800000> : vector<2048xf32>
    %reduce_min3A_256 = vector.multi_reduction <minimumf>, %select_n3A_254, %reduce_min3A_255 [0] : vector<16x2048xf32> to vector<2048xf32>
    %broadcast_in_dim3A_257 = vector.shape_cast %reduce_min3A_256 : vector<2048xf32> to vector<1x2048xf32>
    %min3A_258 = arith.minimumf %min3A_245, %broadcast_in_dim3A_257 : vector<1x2048xf32>
    %slice3A_259 = vector.extract_strided_slice %get3A_12 {offsets = [304, 0], sizes = [16, 2048], strides = [1, 1]} : vector<512x2048xf32> to vector<16x2048xf32>
    %get3A_260 = arith.constant 304 : index
    %get3A_261 = arith.constant 0 : index
    %get3A_262 = vector.load %arg6[%get3A_260, %get3A_261] : memref<512x2048xf32, #tpu.memory_space<vmem>>, vector<16x2048xf32>
    %eq3A_263 = vector.broadcast %broadcast_in_dim3A : vector<1x2048xf32> to vector<16x2048xf32>
    %eq3A_264 = arith.cmpf oeq, %slice3A_259, %eq3A_263 : vector<16x2048xf32>
    %jit3A_265 = arith.constant 1.638400e+04 : f32
    %broadcast_in_dim3A_266 = vector.broadcast %jit3A_265 : f32 to vector<16x2048xf32>
    %select_n3A_267 = arith.select %eq3A_264, %get3A_262, %broadcast_in_dim3A_266 : vector<16x2048xi1>, vector<16x2048xf32>
    %reduce_min3A_268 = arith.constant dense<0x7F800000> : vector<2048xf32>
    %reduce_min3A_269 = vector.multi_reduction <minimumf>, %select_n3A_267, %reduce_min3A_268 [0] : vector<16x2048xf32> to vector<2048xf32>
    %broadcast_in_dim3A_270 = vector.shape_cast %reduce_min3A_269 : vector<2048xf32> to vector<1x2048xf32>
    %min3A_271 = arith.minimumf %min3A_258, %broadcast_in_dim3A_270 : vector<1x2048xf32>
    %slice3A_272 = vector.extract_strided_slice %get3A_12 {offsets = [320, 0], sizes = [16, 2048], strides = [1, 1]} : vector<512x2048xf32> to vector<16x2048xf32>
    %get3A_273 = arith.constant 320 : index
    %get3A_274 = arith.constant 0 : index
    %get3A_275 = vector.load %arg6[%get3A_273, %get3A_274] : memref<512x2048xf32, #tpu.memory_space<vmem>>, vector<16x2048xf32>
    %eq3A_276 = vector.broadcast %broadcast_in_dim3A : vector<1x2048xf32> to vector<16x2048xf32>
    %eq3A_277 = arith.cmpf oeq, %slice3A_272, %eq3A_276 : vector<16x2048xf32>
    %jit3A_278 = arith.constant 1.638400e+04 : f32
    %broadcast_in_dim3A_279 = vector.broadcast %jit3A_278 : f32 to vector<16x2048xf32>
    %select_n3A_280 = arith.select %eq3A_277, %get3A_275, %broadcast_in_dim3A_279 : vector<16x2048xi1>, vector<16x2048xf32>
    %reduce_min3A_281 = arith.constant dense<0x7F800000> : vector<2048xf32>
    %reduce_min3A_282 = vector.multi_reduction <minimumf>, %select_n3A_280, %reduce_min3A_281 [0] : vector<16x2048xf32> to vector<2048xf32>
    %broadcast_in_dim3A_283 = vector.shape_cast %reduce_min3A_282 : vector<2048xf32> to vector<1x2048xf32>
    %min3A_284 = arith.minimumf %min3A_271, %broadcast_in_dim3A_283 : vector<1x2048xf32>
    %slice3A_285 = vector.extract_strided_slice %get3A_12 {offsets = [336, 0], sizes = [16, 2048], strides = [1, 1]} : vector<512x2048xf32> to vector<16x2048xf32>
    %get3A_286 = arith.constant 336 : index
    %get3A_287 = arith.constant 0 : index
    %get3A_288 = vector.load %arg6[%get3A_286, %get3A_287] : memref<512x2048xf32, #tpu.memory_space<vmem>>, vector<16x2048xf32>
    %eq3A_289 = vector.broadcast %broadcast_in_dim3A : vector<1x2048xf32> to vector<16x2048xf32>
    %eq3A_290 = arith.cmpf oeq, %slice3A_285, %eq3A_289 : vector<16x2048xf32>
    %jit3A_291 = arith.constant 1.638400e+04 : f32
    %broadcast_in_dim3A_292 = vector.broadcast %jit3A_291 : f32 to vector<16x2048xf32>
    %select_n3A_293 = arith.select %eq3A_290, %get3A_288, %broadcast_in_dim3A_292 : vector<16x2048xi1>, vector<16x2048xf32>
    %reduce_min3A_294 = arith.constant dense<0x7F800000> : vector<2048xf32>
    %reduce_min3A_295 = vector.multi_reduction <minimumf>, %select_n3A_293, %reduce_min3A_294 [0] : vector<16x2048xf32> to vector<2048xf32>
    %broadcast_in_dim3A_296 = vector.shape_cast %reduce_min3A_295 : vector<2048xf32> to vector<1x2048xf32>
    %min3A_297 = arith.minimumf %min3A_284, %broadcast_in_dim3A_296 : vector<1x2048xf32>
    %slice3A_298 = vector.extract_strided_slice %get3A_12 {offsets = [352, 0], sizes = [16, 2048], strides = [1, 1]} : vector<512x2048xf32> to vector<16x2048xf32>
    %get3A_299 = arith.constant 352 : index
    %get3A_300 = arith.constant 0 : index
    %get3A_301 = vector.load %arg6[%get3A_299, %get3A_300] : memref<512x2048xf32, #tpu.memory_space<vmem>>, vector<16x2048xf32>
    %eq3A_302 = vector.broadcast %broadcast_in_dim3A : vector<1x2048xf32> to vector<16x2048xf32>
    %eq3A_303 = arith.cmpf oeq, %slice3A_298, %eq3A_302 : vector<16x2048xf32>
    %jit3A_304 = arith.constant 1.638400e+04 : f32
    %broadcast_in_dim3A_305 = vector.broadcast %jit3A_304 : f32 to vector<16x2048xf32>
    %select_n3A_306 = arith.select %eq3A_303, %get3A_301, %broadcast_in_dim3A_305 : vector<16x2048xi1>, vector<16x2048xf32>
    %reduce_min3A_307 = arith.constant dense<0x7F800000> : vector<2048xf32>
    %reduce_min3A_308 = vector.multi_reduction <minimumf>, %select_n3A_306, %reduce_min3A_307 [0] : vector<16x2048xf32> to vector<2048xf32>
    %broadcast_in_dim3A_309 = vector.shape_cast %reduce_min3A_308 : vector<2048xf32> to vector<1x2048xf32>
    %min3A_310 = arith.minimumf %min3A_297, %broadcast_in_dim3A_309 : vector<1x2048xf32>
    %slice3A_311 = vector.extract_strided_slice %get3A_12 {offsets = [368, 0], sizes = [16, 2048], strides = [1, 1]} : vector<512x2048xf32> to vector<16x2048xf32>
    %get3A_312 = arith.constant 368 : index
    %get3A_313 = arith.constant 0 : index
    %get3A_314 = vector.load %arg6[%get3A_312, %get3A_313] : memref<512x2048xf32, #tpu.memory_space<vmem>>, vector<16x2048xf32>
    %eq3A_315 = vector.broadcast %broadcast_in_dim3A : vector<1x2048xf32> to vector<16x2048xf32>
    %eq3A_316 = arith.cmpf oeq, %slice3A_311, %eq3A_315 : vector<16x2048xf32>
    %jit3A_317 = arith.constant 1.638400e+04 : f32
    %broadcast_in_dim3A_318 = vector.broadcast %jit3A_317 : f32 to vector<16x2048xf32>
    %select_n3A_319 = arith.select %eq3A_316, %get3A_314, %broadcast_in_dim3A_318 : vector<16x2048xi1>, vector<16x2048xf32>
    %reduce_min3A_320 = arith.constant dense<0x7F800000> : vector<2048xf32>
    %reduce_min3A_321 = vector.multi_reduction <minimumf>, %select_n3A_319, %reduce_min3A_320 [0] : vector<16x2048xf32> to vector<2048xf32>
    %broadcast_in_dim3A_322 = vector.shape_cast %reduce_min3A_321 : vector<2048xf32> to vector<1x2048xf32>
    %min3A_323 = arith.minimumf %min3A_310, %broadcast_in_dim3A_322 : vector<1x2048xf32>
    %slice3A_324 = vector.extract_strided_slice %get3A_12 {offsets = [384, 0], sizes = [16, 2048], strides = [1, 1]} : vector<512x2048xf32> to vector<16x2048xf32>
    %get3A_325 = arith.constant 384 : index
    %get3A_326 = arith.constant 0 : index
    %get3A_327 = vector.load %arg6[%get3A_325, %get3A_326] : memref<512x2048xf32, #tpu.memory_space<vmem>>, vector<16x2048xf32>
    %eq3A_328 = vector.broadcast %broadcast_in_dim3A : vector<1x2048xf32> to vector<16x2048xf32>
    %eq3A_329 = arith.cmpf oeq, %slice3A_324, %eq3A_328 : vector<16x2048xf32>
    %jit3A_330 = arith.constant 1.638400e+04 : f32
    %broadcast_in_dim3A_331 = vector.broadcast %jit3A_330 : f32 to vector<16x2048xf32>
    %select_n3A_332 = arith.select %eq3A_329, %get3A_327, %broadcast_in_dim3A_331 : vector<16x2048xi1>, vector<16x2048xf32>
    %reduce_min3A_333 = arith.constant dense<0x7F800000> : vector<2048xf32>
    %reduce_min3A_334 = vector.multi_reduction <minimumf>, %select_n3A_332, %reduce_min3A_333 [0] : vector<16x2048xf32> to vector<2048xf32>
    %broadcast_in_dim3A_335 = vector.shape_cast %reduce_min3A_334 : vector<2048xf32> to vector<1x2048xf32>
    %min3A_336 = arith.minimumf %min3A_323, %broadcast_in_dim3A_335 : vector<1x2048xf32>
    %slice3A_337 = vector.extract_strided_slice %get3A_12 {offsets = [400, 0], sizes = [16, 2048], strides = [1, 1]} : vector<512x2048xf32> to vector<16x2048xf32>
    %get3A_338 = arith.constant 400 : index
    %get3A_339 = arith.constant 0 : index
    %get3A_340 = vector.load %arg6[%get3A_338, %get3A_339] : memref<512x2048xf32, #tpu.memory_space<vmem>>, vector<16x2048xf32>
    %eq3A_341 = vector.broadcast %broadcast_in_dim3A : vector<1x2048xf32> to vector<16x2048xf32>
    %eq3A_342 = arith.cmpf oeq, %slice3A_337, %eq3A_341 : vector<16x2048xf32>
    %jit3A_343 = arith.constant 1.638400e+04 : f32
    %broadcast_in_dim3A_344 = vector.broadcast %jit3A_343 : f32 to vector<16x2048xf32>
    %select_n3A_345 = arith.select %eq3A_342, %get3A_340, %broadcast_in_dim3A_344 : vector<16x2048xi1>, vector<16x2048xf32>
    %reduce_min3A_346 = arith.constant dense<0x7F800000> : vector<2048xf32>
    %reduce_min3A_347 = vector.multi_reduction <minimumf>, %select_n3A_345, %reduce_min3A_346 [0] : vector<16x2048xf32> to vector<2048xf32>
    %broadcast_in_dim3A_348 = vector.shape_cast %reduce_min3A_347 : vector<2048xf32> to vector<1x2048xf32>
    %min3A_349 = arith.minimumf %min3A_336, %broadcast_in_dim3A_348 : vector<1x2048xf32>
    %slice3A_350 = vector.extract_strided_slice %get3A_12 {offsets = [416, 0], sizes = [16, 2048], strides = [1, 1]} : vector<512x2048xf32> to vector<16x2048xf32>
    %get3A_351 = arith.constant 416 : index
    %get3A_352 = arith.constant 0 : index
    %get3A_353 = vector.load %arg6[%get3A_351, %get3A_352] : memref<512x2048xf32, #tpu.memory_space<vmem>>, vector<16x2048xf32>
    %eq3A_354 = vector.broadcast %broadcast_in_dim3A : vector<1x2048xf32> to vector<16x2048xf32>
    %eq3A_355 = arith.cmpf oeq, %slice3A_350, %eq3A_354 : vector<16x2048xf32>
    %jit3A_356 = arith.constant 1.638400e+04 : f32
    %broadcast_in_dim3A_357 = vector.broadcast %jit3A_356 : f32 to vector<16x2048xf32>
    %select_n3A_358 = arith.select %eq3A_355, %get3A_353, %broadcast_in_dim3A_357 : vector<16x2048xi1>, vector<16x2048xf32>
    %reduce_min3A_359 = arith.constant dense<0x7F800000> : vector<2048xf32>
    %reduce_min3A_360 = vector.multi_reduction <minimumf>, %select_n3A_358, %reduce_min3A_359 [0] : vector<16x2048xf32> to vector<2048xf32>
    %broadcast_in_dim3A_361 = vector.shape_cast %reduce_min3A_360 : vector<2048xf32> to vector<1x2048xf32>
    %min3A_362 = arith.minimumf %min3A_349, %broadcast_in_dim3A_361 : vector<1x2048xf32>
    %slice3A_363 = vector.extract_strided_slice %get3A_12 {offsets = [432, 0], sizes = [16, 2048], strides = [1, 1]} : vector<512x2048xf32> to vector<16x2048xf32>
    %get3A_364 = arith.constant 432 : index
    %get3A_365 = arith.constant 0 : index
    %get3A_366 = vector.load %arg6[%get3A_364, %get3A_365] : memref<512x2048xf32, #tpu.memory_space<vmem>>, vector<16x2048xf32>
    %eq3A_367 = vector.broadcast %broadcast_in_dim3A : vector<1x2048xf32> to vector<16x2048xf32>
    %eq3A_368 = arith.cmpf oeq, %slice3A_363, %eq3A_367 : vector<16x2048xf32>
    %jit3A_369 = arith.constant 1.638400e+04 : f32
    %broadcast_in_dim3A_370 = vector.broadcast %jit3A_369 : f32 to vector<16x2048xf32>
    %select_n3A_371 = arith.select %eq3A_368, %get3A_366, %broadcast_in_dim3A_370 : vector<16x2048xi1>, vector<16x2048xf32>
    %reduce_min3A_372 = arith.constant dense<0x7F800000> : vector<2048xf32>
    %reduce_min3A_373 = vector.multi_reduction <minimumf>, %select_n3A_371, %reduce_min3A_372 [0] : vector<16x2048xf32> to vector<2048xf32>
    %broadcast_in_dim3A_374 = vector.shape_cast %reduce_min3A_373 : vector<2048xf32> to vector<1x2048xf32>
    %min3A_375 = arith.minimumf %min3A_362, %broadcast_in_dim3A_374 : vector<1x2048xf32>
    %slice3A_376 = vector.extract_strided_slice %get3A_12 {offsets = [448, 0], sizes = [16, 2048], strides = [1, 1]} : vector<512x2048xf32> to vector<16x2048xf32>
    %get3A_377 = arith.constant 448 : index
    %get3A_378 = arith.constant 0 : index
    %get3A_379 = vector.load %arg6[%get3A_377, %get3A_378] : memref<512x2048xf32, #tpu.memory_space<vmem>>, vector<16x2048xf32>
    %eq3A_380 = vector.broadcast %broadcast_in_dim3A : vector<1x2048xf32> to vector<16x2048xf32>
    %eq3A_381 = arith.cmpf oeq, %slice3A_376, %eq3A_380 : vector<16x2048xf32>
    %jit3A_382 = arith.constant 1.638400e+04 : f32
    %broadcast_in_dim3A_383 = vector.broadcast %jit3A_382 : f32 to vector<16x2048xf32>
    %select_n3A_384 = arith.select %eq3A_381, %get3A_379, %broadcast_in_dim3A_383 : vector<16x2048xi1>, vector<16x2048xf32>
    %reduce_min3A_385 = arith.constant dense<0x7F800000> : vector<2048xf32>
    %reduce_min3A_386 = vector.multi_reduction <minimumf>, %select_n3A_384, %reduce_min3A_385 [0] : vector<16x2048xf32> to vector<2048xf32>
    %broadcast_in_dim3A_387 = vector.shape_cast %reduce_min3A_386 : vector<2048xf32> to vector<1x2048xf32>
    %min3A_388 = arith.minimumf %min3A_375, %broadcast_in_dim3A_387 : vector<1x2048xf32>
    %slice3A_389 = vector.extract_strided_slice %get3A_12 {offsets = [464, 0], sizes = [16, 2048], strides = [1, 1]} : vector<512x2048xf32> to vector<16x2048xf32>
    %get3A_390 = arith.constant 464 : index
    %get3A_391 = arith.constant 0 : index
    %get3A_392 = vector.load %arg6[%get3A_390, %get3A_391] : memref<512x2048xf32, #tpu.memory_space<vmem>>, vector<16x2048xf32>
    %eq3A_393 = vector.broadcast %broadcast_in_dim3A : vector<1x2048xf32> to vector<16x2048xf32>
    %eq3A_394 = arith.cmpf oeq, %slice3A_389, %eq3A_393 : vector<16x2048xf32>
    %jit3A_395 = arith.constant 1.638400e+04 : f32
    %broadcast_in_dim3A_396 = vector.broadcast %jit3A_395 : f32 to vector<16x2048xf32>
    %select_n3A_397 = arith.select %eq3A_394, %get3A_392, %broadcast_in_dim3A_396 : vector<16x2048xi1>, vector<16x2048xf32>
    %reduce_min3A_398 = arith.constant dense<0x7F800000> : vector<2048xf32>
    %reduce_min3A_399 = vector.multi_reduction <minimumf>, %select_n3A_397, %reduce_min3A_398 [0] : vector<16x2048xf32> to vector<2048xf32>
    %broadcast_in_dim3A_400 = vector.shape_cast %reduce_min3A_399 : vector<2048xf32> to vector<1x2048xf32>
    %min3A_401 = arith.minimumf %min3A_388, %broadcast_in_dim3A_400 : vector<1x2048xf32>
    %slice3A_402 = vector.extract_strided_slice %get3A_12 {offsets = [480, 0], sizes = [16, 2048], strides = [1, 1]} : vector<512x2048xf32> to vector<16x2048xf32>
    %get3A_403 = arith.constant 480 : index
    %get3A_404 = arith.constant 0 : index
    %get3A_405 = vector.load %arg6[%get3A_403, %get3A_404] : memref<512x2048xf32, #tpu.memory_space<vmem>>, vector<16x2048xf32>
    %eq3A_406 = vector.broadcast %broadcast_in_dim3A : vector<1x2048xf32> to vector<16x2048xf32>
    %eq3A_407 = arith.cmpf oeq, %slice3A_402, %eq3A_406 : vector<16x2048xf32>
    %jit3A_408 = arith.constant 1.638400e+04 : f32
    %broadcast_in_dim3A_409 = vector.broadcast %jit3A_408 : f32 to vector<16x2048xf32>
    %select_n3A_410 = arith.select %eq3A_407, %get3A_405, %broadcast_in_dim3A_409 : vector<16x2048xi1>, vector<16x2048xf32>
    %reduce_min3A_411 = arith.constant dense<0x7F800000> : vector<2048xf32>
    %reduce_min3A_412 = vector.multi_reduction <minimumf>, %select_n3A_410, %reduce_min3A_411 [0] : vector<16x2048xf32> to vector<2048xf32>
    %broadcast_in_dim3A_413 = vector.shape_cast %reduce_min3A_412 : vector<2048xf32> to vector<1x2048xf32>
    %min3A_414 = arith.minimumf %min3A_401, %broadcast_in_dim3A_413 : vector<1x2048xf32>
    %slice3A_415 = vector.extract_strided_slice %get3A_12 {offsets = [496, 0], sizes = [16, 2048], strides = [1, 1]} : vector<512x2048xf32> to vector<16x2048xf32>
    %get3A_416 = arith.constant 496 : index
    %get3A_417 = arith.constant 0 : index
    %get3A_418 = vector.load %arg6[%get3A_416, %get3A_417] : memref<512x2048xf32, #tpu.memory_space<vmem>>, vector<16x2048xf32>
    %eq3A_419 = vector.broadcast %broadcast_in_dim3A : vector<1x2048xf32> to vector<16x2048xf32>
    %eq3A_420 = arith.cmpf oeq, %slice3A_415, %eq3A_419 : vector<16x2048xf32>
    %jit3A_421 = arith.constant 1.638400e+04 : f32
    %broadcast_in_dim3A_422 = vector.broadcast %jit3A_421 : f32 to vector<16x2048xf32>
    %select_n3A_423 = arith.select %eq3A_420, %get3A_418, %broadcast_in_dim3A_422 : vector<16x2048xi1>, vector<16x2048xf32>
    %reduce_min3A_424 = arith.constant dense<0x7F800000> : vector<2048xf32>
    %reduce_min3A_425 = vector.multi_reduction <minimumf>, %select_n3A_423, %reduce_min3A_424 [0] : vector<16x2048xf32> to vector<2048xf32>
    %broadcast_in_dim3A_426 = vector.shape_cast %reduce_min3A_425 : vector<2048xf32> to vector<1x2048xf32>
    %min3A_427 = arith.minimumf %min3A_414, %broadcast_in_dim3A_426 : vector<1x2048xf32>
    %mul3A = arith.constant 512 : i32
    %mul3A_428 = arith.muli %arg1, %mul3A : i32
    %convert_element_type3A_429 = arith.sitofp %mul3A_428 : i32 to f32
    %mul3A_430 = arith.constant 1.000000e+00 : f32
    %mul3A_431 = arith.mulf %mul3A_430, %convert_element_type3A_429 : f32
    %add3A = vector.broadcast %mul3A_431 : f32 to vector<1x2048xf32>
    %add3A_432 = arith.addf %min3A_427, %add3A : vector<1x2048xf32>
    %get3A_433 = arith.constant 0 : index
    %get3A_434 = arith.constant 0 : index
    %get3A_435 = vector.load %arg4[%get3A_433, %get3A_434] : memref<1x2048xf32, #tpu.memory_space<vmem>>, vector<1x2048xf32>
    %lt3A = arith.cmpf olt, %broadcast_in_dim3A, %get3A_435 : vector<1x2048xf32>
    %min3A_436 = arith.minimumf %broadcast_in_dim3A, %get3A_435 : vector<1x2048xf32>
    %swap3A = arith.constant 0 : index
    %swap3A_437 = arith.constant 0 : index
    %swap3A_438 = vector.load %arg4[%swap3A, %swap3A_437] : memref<1x2048xf32, #tpu.memory_space<vmem>>, vector<1x2048xf32>
    tpu.vector_store %arg4[%swap3A, %swap3A_437], %min3A_436 {strides = array<i32>} : memref<1x2048xf32, #tpu.memory_space<vmem>>, vector<1x2048xf32>,
    %get3A_439 = arith.constant 0 : index
    %get3A_440 = arith.constant 0 : index
    %get3A_441 = vector.load %arg5[%get3A_439, %get3A_440] : memref<1x2048xf32, #tpu.memory_space<vmem>>, vector<1x2048xf32>
    %select_n3A_442 = arith.select %lt3A, %add3A_432, %get3A_441 : vector<1x2048xi1>, vector<1x2048xf32>
    %swap3A_443 = arith.constant 0 : index
    %swap3A_444 = arith.constant 0 : index
    %swap3A_445 = vector.load %arg5[%swap3A_443, %swap3A_444] : memref<1x2048xf32, #tpu.memory_space<vmem>>, vector<1x2048xf32>
    tpu.vector_store %arg5[%swap3A_443, %swap3A_444], %select_n3A_442 {strides = array<i32>} : memref<1x2048xf32, #tpu.memory_space<vmem>>, vector<1x2048xf32>,
    %eq3A_446 = arith.constant 15 : i32
    %eq3A_447 = arith.cmpi eq, %arg1, %eq3A_446 : i32
    %convert_element_type3A_448 = arith.extui %eq3A_447 : i1 to i32
    %cond3A_449 = arith.constant 0 : i32
    %cond3A_450 = arith.cmpi ne, %convert_element_type3A_448, %cond3A_449 : i32
    scf.if %cond3A_450 {
      %get3A_451 = arith.constant 0 : index
      %get3A_452 = arith.constant 0 : index
      %get3A_453 = vector.load %arg5[%get3A_451, %get3A_452] : memref<1x2048xf32, #tpu.memory_space<vmem>>, vector<1x2048xf32>
      %convert_element_type3A_454 = arith.fptosi %get3A_453 : vector<1x2048xf32> to vector<1x2048xi32>
      %reshape3A = vector.shape_cast %convert_element_type3A_454 : vector<1x2048xi32> to vector<1x1x2048xi32>
      %swap3A_455 = arith.constant 0 : index
      %swap3A_456 = arith.constant 0 : index
      %swap3A_457 = arith.constant 0 : index
      %swap3A_458 = vector.load %arg3[%swap3A_455, %swap3A_456, %swap3A_457] : memref<1x1x2048xi32, #tpu.memory_space<vmem>>, vector<1x1x2048xi32>
      tpu.vector_store %arg3[%swap3A_455, %swap3A_456, %swap3A_457], %reshape3A {strides = array<i32>} : memref<1x1x2048xi32, #tpu.memory_space<vmem>>, vector<1x1x2048xi32>,
    } else {
    }
    return
  }
  func.func @transform_0(%arg0: i32, %arg1: i32) -> (i32, i32, i32) {
    %c0_i32 = arith.constant 0 : i32
    %c0_i32_0 = arith.constant 0 : i32
    return %arg0, %arg1, %c0_i32 : i32, i32, i32
  }
  func.func @transform_1(%arg0: i32, %arg1: i32) -> (i32, i32, i32) {
    %c0_i32 = arith.constant 0 : i32
    %c0_i32_0 = arith.constant 0 : i32
    %c0_i32_1 = arith.constant 0 : i32
    return %arg0, %c0_i32, %c0_i32_0 : i32, i32, i32
  }
}

</mosaic_0001>

<sc_bundles>
// kernel: kernel.4.cloned.1.call-start
scs
__scs_entry_jumppad:
0x0: {  	(pc) =	sbr.rel $0x88, $3  }
0x1: {  	(tag) =	ssettag $0x0;
	lr =	simm.s32 $0x1  }
0x2: {  	[smem:$0x3FA0] =	sst lr;
	_ =	strace $0xD0000000  }
0x3: {  	_ = 	snop  }
0x4: {  	_ = 	snop  }
0x5: {  	_ = 	snop  }
0x6: {  	_ = 	snop  }
0x7: {  	_ = 	snop  }
__scs_overlays_trampoline_lowered:
0x8: {  	[smem:$0x3FAF] =	sst s0  }
0x9: {  	[smem:$0x3FB0] =	sst s1  }
0xa: {  	[smem:$0x3FB1] =	sst s2  }
0xb: {  	[smem:$0x3FB2] =	sst s3  }
0xc: {  	[smem:$0x3FB3] =	sst s4  }
0xd: {  	[smem:$0x3FB4] =	sst s5  }
0xe: {  	[smem:$0x3FB5] =	sst s6  }
0xf: {  	[smem:$0x3FB6] =	sst s7  }
0x10: {  	[smem:$0x3FB7] =	sst s8  }
0x11: {  	[smem:$0x3FB8] =	sst s9;
	s0 =	simm.s32 @!p0 $0x0  }
0x12: {  	s1 =	sld [smem:$0x3F9E];
	s0 =	simm.s32 @p0 $0x1  }
0x13: {  	[smem:$0x3FB9] =	sst s0;
	s0 =	simm.s32 @!p1 $0x0  }
0x14: {  	s2 =	sld [smem:$0x3F9D];
	s0 =	simm.s32 @p1 $0x1  }
0x15: {  	[smem:$0x3FBA] =	sst s0;
	s0 =	simm.s32 @!p2 $0x0  }
0x16: {  	s3 =	sld [smem:$0x3FDB];
	s0 =	simm.s32 @p2 $0x1  }
0x17: {  	s4 =	simm.s32 $0x1BF5;
	[smem:$0x3FBC] =	sst s0  }
0x18: {  	s0 =	sld [smem:$0x3F9F];
	_ =	swait.ge [sflag:s4], $0x0  }
0x19: {  	s7 =	sld [smem:$0x3FA0]  }
0x1a: {  	s8 =	sadd.s32 $0xFFFFE003, lr  }
0x1b: {  	s9 =	sadd.s32 $0xFFFFFEF7, lr;
	s5 =	simm.s32 $0xFFFFFFFF;
	p2 =	slt.u32 s8, $0xFFFFF086  }
0x1c: {  	p1 =	slt.u32 s9, $0xF7A;
	s5 =	simm.s32 @!p2 $0x0  }
0x1d: {  	s5 =	simm.s32 @p1 $0x1;
	p0 =	seq.s32 s7, s2  }
0x1e: {  	s7 =	smul.u32 @!p0 $0xF7A, s2;
	p2 =	seq.s32 @!p0 s5, $0x0  }
0x1f: {  	s9 =	smul.u32 $0xF7A, s1;
	s8 =	simm.s32 @!p0 $0x1BF5;
	p2 =	por !p2, p0  }
0x20: {  	[sflag:s8] =	ssyncset.s32 @!p0 $0xFFFFF086;
	s6 =	sadd.s32 @!p0 s3, s7;
	s7 =	simm.s32 @!p0 $0x108  }
0x21: {  	s3 =	sadd.s32 s3, s9;
	s6 =	sadd.s32 @!p0 $0x88, s6;
	s7 =	simm.s32 @p2 $0x1082  }
0x22: {  	[simem:s7], [sflag:s8] =	dma.local @!p0 [hbm:s6], $0xF7A  }
0x23: {  	s9 =	sor.u32 $0xD0000000, s2;
	s6 =	simm.s32 $0x108;
	_ =	swait.ge @!p0 [sflag:s8], $0x0  }
0x24: {  	s3 =	sadd.s32 $0x88, s3;
	s6 =	simm.s32 @!p1 $0x1082;
	[sflag:s4] =	ssyncset.s32 $0xFFFFF086  }
0x25: {  	[simem:s6], [sflag:s4] =	dma.local [hbm:s3], $0xF7A  }
0x26: {  	[smem:$0x3FA0] =	sst s1;
	(tag) =	ssettag s2;
	_ =	strace s9  }
0x27: {  	s1 =	sld [smem:$0x3FB0]  }
0x28: {  	s2 =	sld [smem:$0x3FB1]  }
0x29: {  	s4 =	sld [smem:$0x3FB3]  }
0x2a: {  	p0 =	seq.s32 s5, $0x0;
	s5 =	sld [smem:$0x3FB4]  }
0x2b: {  	s6 =	sld [smem:$0x3FB5]  }
0x2c: {  	s7 =	sld [smem:$0x3FB6]  }
0x2d: {  	s3 =	simm.s32 $0x108;
	s8 =	sld [smem:$0x3FB7]  }
0x2e: {  	s3 =	simm.s32 @!p0 $0x1082;
	s9 =	sld [smem:$0x3FB8]  }
0x2f: {  	lr =	sadd.s32 s0, s3;
	s0 =	sld [smem:$0x3FAF]  }
0x30: {  	s3 =	sld [smem:$0x3FB2]  }
0x31: {  	[smem:$0x3FBB] =	sst s10  }
0x32: {  	s10 =	sld [smem:$0x3FB9];
	_ =	sdelay $0x3  }
0x33: {  	p0 =	seq.s32 s10, $0x1;
	s10 =	sld [smem:$0x3FBB];
	_ =	sdelay $0x3  }
0x34: {  	[smem:$0x3FBB] =	sst s10  }
0x35: {  	s10 =	sld [smem:$0x3FBA];
	_ =	sdelay $0x3  }
0x36: {  	p1 =	seq.s32 s10, $0x1;
	s10 =	sld [smem:$0x3FBB];
	_ =	sdelay $0x3  }
0x37: {  	[smem:$0x3FBB] =	sst s10  }
0x38: {  	s10 =	sld [smem:$0x3FBC]  }
0x39: {  	_ = 	snop;
	(pc) =	sbr.ind lr, $3  }
0x3a: {  	_ = 	snop  }
0x3b: {  	_ = 	snop  }
0x3c: {  	p2 =	seq.s32 s10, $0x1;
	s10 =	sld [smem:$0x3FBB]  }
0x3d: {  	_ =	shalt  }
0x3e: {  	_ =	shalt  }
0x3f: {  	_ =	shalt  }
0x40: {  	_ =	shalt  }
0x41: {  	_ =	shalt  }
0x42: {  	_ =	shalt  }
0x43: {  	_ =	shalt  }
0x44: {  	_ =	shalt  }
0x45: {  	_ =	shalt  }
0x46: {  	_ =	shalt  }
0x47: {  	_ =	shalt  }
0x48: {  	_ =	shalt  }
0x49: {  	_ =	shalt  }
0x4a: {  	_ =	shalt  }
0x4b: {  	_ =	shalt  }
0x4c: {  	_ =	shalt  }
0x4d: {  	_ =	shalt  }
0x4e: {  	_ =	shalt  }
0x4f: {  	_ =	shalt  }
0x50: {  	_ =	shalt  }
0x51: {  	_ =	shalt  }
0x52: {  	_ =	shalt  }
0x53: {  	_ =	shalt  }
0x54: {  	_ =	shalt  }
0x55: {  	_ =	shalt  }
0x56: {  	_ =	shalt  }
0x57: {  	_ =	shalt  }
0x58: {  	_ =	shalt  }
0x59: {  	_ =	shalt  }
0x5a: {  	_ =	shalt  }
0x5b: {  	_ =	shalt  }
0x5c: {  	_ =	shalt  }
0x5d: {  	_ =	shalt  }
0x5e: {  	_ =	shalt  }
0x5f: {  	_ =	shalt  }
0x60: {  	_ =	shalt  }
0x61: {  	_ =	shalt  }
0x62: {  	_ =	shalt  }
0x63: {  	_ =	shalt  }
0x64: {  	_ =	shalt  }
0x65: {  	_ =	shalt  }
0x66: {  	_ =	shalt  }
0x67: {  	_ =	shalt  }
0x68: {  	_ =	shalt  }
0x69: {  	_ =	shalt  }
0x6a: {  	_ =	shalt  }
0x6b: {  	_ =	shalt  }
0x6c: {  	_ =	shalt  }
0x6d: {  	_ =	shalt  }
0x6e: {  	_ =	shalt  }
0x6f: {  	_ =	shalt  }
0x70: {  	_ =	shalt  }
0x71: {  	_ =	shalt  }
0x72: {  	_ =	shalt  }
0x73: {  	_ =	shalt  }
0x74: {  	_ =	shalt  }
0x75: {  	_ =	shalt  }
0x76: {  	_ =	shalt  }
0x77: {  	_ =	shalt  }
0x78: {  	_ =	shalt  }
0x79: {  	_ =	shalt  }
0x7a: {  	_ =	shalt  }
0x7b: {  	_ =	shalt  }
0x7c: {  	_ =	shalt  }
0x7d: {  	_ =	shalt  }
0x7e: {  	_ =	shalt  }
0x7f: {  	_ =	shalt  }
0x80: {  	_ =	shalt  }
0x81: {  	_ =	shalt  }
0x82: {  	_ =	shalt  }
0x83: {  	_ =	shalt  }
0x84: {  	_ =	shalt  }
0x85: {  	_ =	shalt  }
0x86: {  	_ =	shalt  }
0x87: {  	_ =	shalt  }
.Lfunc_end0:
.L_simem_size_0:
called_computation_lowered:
.L_overlay_start_0:
0x88: {  	s2 =	sld [smem:$0x3FD9]  }
0x89: {  	s3 =	sld [smem:$0x3FFE];
	_ =	sdelay $0x1  }
0x8a: {  	s1 =	srdreg.scid  }
0x8b: {  	s0 =	sand.u32 $0x1, s1  }
0x8c: {  	s18 =	sshll.u32 s0, $0xA;
	s2 =	sadd.s32 s3, s2  }
0x8d: {  	s2 =	sadd.s32 s2, s18  }
0x8e: {  	[smem:$0x3FC7] =	sst s2  }
0x8f: {  	_ = 	snop  }
0x90: {  	s2 =	sld [smem:$0x3FC9]  }
0x91: {  	s19 =	sld [smem:$0x3FD0];
	(tm) =	ssettm $0x1  }
0x92: {  	s4 =	sld [smem:$0x3FFB];
	_ =	sdelay $0x3  }
0x93: {  	_ =	strace s4  }
0x94: {  	s4 =	sld [smem:$0x3FFC];
	_ =	sdelay $0x3  }
0x95: {  	_ =	strace s4  }
0x96: {  	s4 =	sld [smem:$0x3FFD];
	_ =	sdelay $0x3  }
0x97: {  	_ =	strace s4  }
0x98: {  	_ =	strace $0x8FFFFFFF  }
0x99: {  	s20 =	sld [smem:$0x3FDB];
	_ =	sdelay $0x1  }
0x9a: {  	s5 =	simm.s32 $_scs_section_size  }
0x9b: {  	s6 =	simm.s32 $_size__tile_overlayer_lowered;
	s7 =	simm.s32 $_tile_overlayer_lowered  }
0x9c: {  	s23 =	simm.s32 $0x1BFF;
	s22 =	sshll.u32 s7, $0x1;
	s4 =	sadd.s32 s5, s20  }
0x9d: {  	s8 =	simm.s32 $0x0;
	s21 =	sshll.u32 s6, $0x1;
	s6 =	sadd.s32 s22, s4  }
0x9e: {  	[timem:s8], [sflag:s23] =	dma.local [hbm:s6], s21  }
0x9f: {  	_ =	swait.ge [sflag:s23], s21  }
0xa0: {  	s5 =	ssub.s32 $0x0, s21;
	[sflag:s23] =	ssyncset.done $0x0  }
0xa1: {  	[sflag:s23] =	ssyncadd.s32 s5;
	_ =	sdelay $0x1  }
0xa2: {  	s24 =	simm.s32 $0x1B8B  }
0xa3: {  	_ =	swait.ge [sflag:s24], $0x1  }
0xa4: {  	[sflag:s24] =	ssyncset.done $0x0  }
0xa5: {  	s25 =	simm.s32 $0x1B8E;
	[sflag:s24] =	ssyncadd.s32 $0xFFFFFFFF  }
0xa6: {  	s26 =	simm.s32 $execute0_lowered;
	[smem:$0x3FD2] =	sst s25  }
0xa7: {  	s5 =	sshll.u32 s26, $0x1;
	_ =	strace $0x80000046;
	[dreg:$0x1] =	wrdreg $0xFFFFFFFF  }
0xa8: {  	s28 =	simm.s32 $_size_execute0_lowered;
	s4 =	sadd.s32 s4, s5;
	[dreg:$0x0] =	wrdreg $0x0  }
0xa9: {  	s5 =	sshll.u32 s28, $0x1;
	[dreg:$0x2] =	wrdreg s4  }
0xaa: {  	[dreg:$0x3] =	wrdreg s5  }
0xab: {  	[dreg:$0x4] =	wrdreg $0xC0  }
0xac: {  	_ =	task [dreg:s8], $0x5FFFF  }
0xad: {  	[dreg:$0x1] =	wrdreg $0xFFFFFFFF  }
0xae: {  	[dreg:$0x0] =	wrdreg $0x60  }
0xaf: {  	[dreg:$0x2] =	wrdreg s2  }
0xb0: {  	[dreg:$0x3] =	wrdreg s19  }
0xb1: {  	[dreg:$0x4] =	wrdreg $0x9  }
0xb2: {  	_ =	task.clear_ibuf [dreg:s8], $0x5FFFF;
	_ =	strace $0x90000046  }
0xb3: {  	s29 =	simm.s32 $0x9;
	_ =	strace $0x80000048  }
0xb4: {  	_ =	swait.ge [sflag:s29], $0x1  }
0xb5: {  	[sflag:s29] =	ssyncadd.s32 $0xFFFFFFFF  }
0xb6: {  	_ =	strace $0x90000048  }
0xb7: {  	_ =	sfence  }
0xb8: {  	s30 =	sld [smem:$0x0];
	_ =	sdelay $0x2  }
0xb9: {  	s31 =	sshll.u32 s1, $0xD;
	s1 =	sshrl.u32 s1, $0x2  }
0xba: {  	s3 =	sand.u32 $0x4000, s31;
	s1 =	sadd.s32 s1, s30  }
0xbb: {  	s0 =	sor.u32 s3, s0;
	s1 =	sshll.u32 s1, $0x11  }
0xbc: {  	s0 =	sor.u32 s1, s0  }
0xbd: {  	s0 =	sadd.s32 $0x8F2B, s0  }
0xbe: {  	[sflag:s0] =	ssyncadd.remote.s32 $0x1  }
0xbf: {  	_ =	sfence.sel $0xFFFF  }
0xc0: {  	[dreg:$0x0] =	wrdreg $0xFFFFFFFF;
	(pc) =	sbr.abs _section_cstart, $3  }
0xc1: {  	[dreg:$0x1] =	wrdreg $0xFFFFFFFF  }
0xc2: {  	_ =	task.clear_ibuf [dreg:s8], $0x2FFFF;
	_ =	strace $0x9FFFFFFF  }
0xc3: {  	(tm) =	ssettm $0x7FFFFFFF  }
tec
execute0_lowered:
.L_overlay_start_1:
0x0: {  	(tag) =	ssettag $0x1  }
0x1: {  	s1 =	rddreg [dreg:$0x0]  }
0x2: {  	s7 =	rddreg [dreg:$0x1]  }
0x3: {  	s3 =	srdreg.scid;
	s0 =	rddreg [dreg:$0x2]  }
0x4: {  	s2 =	simm.s32 $0x0;
	s11 =	simm.s32 $0x8000;
	s12 =	simm.s32 $0x1  }
0x5: {  	s13 =	simm.s32 $0x2;
	s14 =	simm.s32 $0x10000;
	s15 =	simm.s32 $0x3  }
0x6: {  	s16 =	simm.s32 $0x0;
	s4 =	sand.u32 $0x1, s3;
	[smem:$0x7FF] =	sst s2  }
0x7: {  	s3 =	stileid.u32;
	s5 =	ssub.s32 $0x2, s4;
	_ =	strace $0x80000047  }
0x8: {  	s29 =	sshll.u32 s4, $0x18;
	s4 =	sshll.u32 s4, $0xB;
	s30 =	sshll.u32 s3, $0x7  }
0x9: {  	s31 =	sshll.u32 s3, $0xA;
	s6 =	sshrl.u32 s5, $0x1;
	s9 =	sor.u32 s30, s4  }
0xa: {  	s8 =	ssub.s32 s5, s6;
	s5 =	sor.u32 $0x2000000, s29;
	s6 =	sadd.s32 s1, s30  }
0xb: {  	s9 =	sshrl.u32 s9, $0x3;
	s10 =	sshrl.u32 s5, $0x3;
	s4 =	sor.u32 s31, s5  }
0xc: {  	s7 =	sadd.s32 s7, s9;
	s8 =	smax.u32 s8, $0x1;
	s9 =	simm.s32 $0x400  }
0xd: {  	s5 =	sadd.s32 s10, s6;
	s6 =	sor.u32 $0x100000, s4;
	s10 =	simm.s32 $0x4000  }
.LBB2_1:
0xe: {  	v18 =	vimm.f32 $+Inf  }
0xf: {  	v11 =	vimm.s32 $0x0;
	v9 =	vimm.s32 $0x0;
	v17 =	vimm.s32 $0x0  }
0x10: {  	v7 =	vimm.s32 $0x0;
	v0 =	vimm.s32 $0x0;
	v3 =	vimm.s32 $0x0  }
0x11: {  	v19 =	vimm.s32 $0x0;
	v22 =	vimm.s32 $0x0;
	v6 =	vimm.f32 $+Inf  }
0x12: {  	[tilespmem:s2], [sflag:$0x1] =	stream.strided.gather [hbm4b:s5+s9], $0x8000, s10, s9, $0x38;
	v20 =	vimm.f32 $+Inf;
	v12 =	vimm.f32 $+Inf;
	v15 =	vimm.f32 $+Inf;
	[tilespmem:$0x10080] =	vst v63  }
0x13: {  	s17 =	simm.s32 $0x0;
	v21 =	vimm.f32 $+Inf;
	v13 =	vimm.f32 $+Inf;
	v16 =	vimm.f32 $+Inf;
	s18 =	simm.s32 $0x0  }
.LBB2_2:
0x14: {  	s19 =	sshll.u32 s18, $0x14  }
0x15: {  	s19 =	sadd.s32 s19, s4  }
0x16: {  	s19 =	sadd.s32 $0x80000, s19  }
0x17: {  	s19 =	sshrl.u32 s19, $0x3  }
0x18: {  	s19 =	sadd.s32 s1, s19  }
0x19: {  	[tilespmem:s11], [sflag:$0x2] =	stream.strided.gather [hbm4b:s19+s9], $0x8000, s10, s9, $0x38;
	[tilespmem:$0x10080] =	vst v63  }
0x1a: {  	_ =	swait.ge [sflag:s12], $0x8000  }
0x1b: {  	[sflag:s12] =	ssyncset.done $0x0  }
0x1c: {  	s19 =	simm.s32 $0x100;
	[sflag:s12] =	ssyncadd.s32 $0xFFFF8000  }
0x1d: {  	v4 =	vld [tilespmem:s19+$0xFFFFFFA0]  }
0x1e: {  	v8 =	vld [tilespmem:s19+$0xFFFFFF90]  }
0x1f: {  	v23 =	vld [tilespmem:s19+$0xE0]  }
0x20: {  	v29 =	vld [tilespmem:s19+$0x60]  }
0x21: {  	v2 =	vld [tilespmem:s19+$0x50]  }
0x22: {  	v24 =	vld [tilespmem:s19+$0xFFFFFFE0]  }
0x23: {  	v31 =	vld [tilespmem:s19+$0x70]  }
0x24: {  	v25 =	vld [tilespmem:s19+$0xFFFFFFD0]  }
0x25: {  	v14 =	vld [tilespmem:s19+$0xFFFFFF70]  }
0x26: {  	v26 =	vld [tilespmem:s19+$0xFFFFFF60]  }
0x27: {  	v28 =	vld [tilespmem:s19+$0xFFFFFF40]  }
0x28: {  	v33 =	vld [tilespmem:s19+$0xFFFFFF00]  }
0x29: {  	v27 =	vld [tilespmem:s19+$0xFFFFFF50]  }
0x2a: {  	v10 =	vld [tilespmem:s19+$0xFFFFFFF0]  }
0x2b: {  	v35 =	vld [tilespmem:s19+$0xFFFFFF80];
	vm0 =	vlt.f32 v14, v18;
	v14 =	vmin.f32 v14, v18  }
0x2c: {  	s23 =	sadd.s32 $0xFFFFFFFC, s17;
	v1 =	vld [tilespmem:s19+$0x40];
	vm1 =	vlt.f32 v26, v6;
	v6 =	vmin.f32 v26, v6;
	vm4 =	vlt.f32 v28, v12  }
0x2d: {  	s22 =	sadd.s32 $0x4, s23;
	v18 =	vld [tilespmem:s19+$0xFFFFFF30];
	v12 =	vmin.f32 v28, v12;
	vm9 =	vlt.f32 v33, v16;
	v16 =	vmin.f32 v33, v16  }
0x2e: {  	v26 =	vld [tilespmem:s19+$0xFFFFFF20];
	v11 =	vsel vm0, s22, v11;
	vm0 =	vlt.f32 v27, v20;
	v20 =	vmin.f32 v27, v20  }
0x2f: {  	v32 =	vmin.f32 v10, v14;
	v27 =	vld [tilespmem:s19+$0xFFFFFF10];
	v34 =	vsel vm1, s22, v9;
	vm6 =	vlt.f32 v24, v6  }
0x30: {  	v5 =	vld [tilespmem:s19+$0xFFFFFFC0];
	v28 =	vmin.f32 v35, v16;
	vm7 =	vlt.f32 v35, v16;
	v30 =	vsel vm0, s22, v17  }
0x31: {  	s21 =	sadd.s32 $0x5, s23;
	v9 =	vld [tilespmem:s19+$0xC0];
	vm2 =	vlt.f32 v25, v20;
	vm0 =	vlt.f32 v31, v32;
	v17 =	vmin.f32 v25, v20  }
0x32: {  	v20 =	vsel vm2, s21, v30;
	v30 =	vmin.f32 v24, v6;
	v24 =	vld [tilespmem:s19+$0x0];
	vm2 =	vlt.f32 v18, v15  }
0x33: {  	v15 =	vmin.f32 v18, v15;
	vm3 =	vlt.f32 v26, v21;
	v18 =	vmin.f32 v26, v21;
	v21 =	vld [tilespmem:s19+$0xF0]  }
0x34: {  	v26 =	vmin.f32 v29, v30;
	vm8 =	vlt.f32 v27, v13;
	v25 =	vmin.f32 v27, v13;
	v13 =	vld [tilespmem:s19+$0xB0]  }
0x35: {  	v6 =	vmin.f32 v23, v26;
	vm1 =	vlt.f32 v23, v26;
	v26 =	vsel vm6, s21, v34;
	v27 =	vld [tilespmem:s19+$0x10]  }
0x36: {  	v23 =	vld [tilespmem:s19+$0x20];
	vm6 =	vlt.f32 v29, v30;
	v30 =	vsel vm9, s22, v22;
	v22 =	vmin.f32 v31, v32  }
0x37: {  	s24 =	simm.s32 $0x0;
	s25 =	simm.s32 $0x300;
	s20 =	sadd.s32 $0x6, s23;
	vm5 =	vlt.f32 v8, v25;
	v29 =	vsel vm8, s22, v19;
	v19 =	vld [tilespmem:s19+$0x90];
	v16 =	vmin.f32 v24, v28  }
.LBB2_3:
0x38: {  	v31 =	vld [tilespmem:s25+$0xFFFFFFA0];
	v30 =	vsel vm7, s21, v30;
	v8 =	vmin.f32 v8, v25;
	v25 =	vmin.f32 v21, v22;
	s26 =	smov.u32 s24;
	s24 =	sadd.s32 $0x4, s24  }
0x39: {  	v29 =	vsel vm5, s21, v29;
	vm5 =	vlt.f32 v24, v28;
	v24 =	vsel vm6, s20, v26;
	p0 =	slt.u32 s24, $0xFC;
	v32 =	vld [tilespmem:s19+$0xFFFFFFB0]  }
0x3a: {  	vm7 =	vlt.f32 v2, v17;
	vm6 =	vlt.f32 v27, v8;
	v8 =	vmin.f32 v27, v8;
	v26 =	vld [tilespmem:s19+$0xD0]  }
0x3b: {  	v20 =	vsel vm7, s20, v20;
	v27 =	vsel vm5, s20, v30;
	v28 =	vsel vm6, s20, v29;
	v29 =	vld [tilespmem:s19+$0x80]  }
0x3c: {  	vm8 =	vlt.f32 v10, v14;
	s28 =	sadd.s32 $0x7, s23;
	vm5 =	vlt.f32 v19, v8;
	v30 =	vmin.f32 v19, v8;
	v10 =	vld [tilespmem:s19+$0xA0]  }
0x3d: {  	v14 =	vmin.f32 v4, v18;
	v17 =	vmin.f32 v2, v17;
	v33 =	vld [tilespmem:s19+$0x30];
	v19 =	vsel vm5, s28, v28;
	s19 =	smov.u32 s25  }
0x3e: {  	vm6 =	vlt.f32 v23, v14;
	vm5 =	vlt.f32 v21, v22;
	v8 =	vld [tilespmem:s25+$0xFFFFFF90];
	v28 =	vmin.f32 v32, v15  }
0x3f: {  	v7 =	vsel vm4, s22, v7;
	vm7 =	vlt.f32 v4, v18;
	v14 =	vmin.f32 v23, v14;
	v4 =	vmovc v31;
	v22 =	vld [tilespmem:s25+$0xE0]  }
0x40: {  	vm9 =	vlt.f32 v32, v15;
	vm4 =	vlt.f32 v26, v17;
	v31 =	vld [tilespmem:s25+$0x60];
	vm10 =	vlt.f32 v29, v16  }
0x41: {  	v3 =	vsel vm3, s22, v3;
	v11 =	vsel vm8, s21, v11;
	v2 =	vld [tilespmem:s25+$0x50];
	vm3 =	vlt.f32 v10, v14  }
0x42: {  	v0 =	vsel vm2, s22, v0;
	v32 =	vsel vm10, s28, v27;
	v18 =	vld [tilespmem:s25+$0xFFFFFFE0];
	v15 =	vmin.f32 v33, v28  }
0x43: {  	v21 =	vmin.f32 v5, v12;
	v0 =	vsel vm9, s21, v0;
	v23 =	vmin.f32 v10, v14;
	v34 =	vld [tilespmem:s25+$0x70]  }
0x44: {  	v16 =	vmin.f32 v29, v16;
	v14 =	vmin.f32 v1, v21;
	vm2 =	vlt.f32 v33, v28;
	v27 =	vld [tilespmem:s25+$0xFFFFFFD0]  }
0x45: {  	vm8 =	vlt.f32 v5, v12;
	vm9 =	vlt.f32 v13, v15;
	v13 =	vmin.f32 v13, v15;
	v10 =	vld [tilespmem:s25+$0xFFFFFFF0]  }
0x46: {  	v3 =	vsel vm7, s21, v3;
	v7 =	vsel vm8, s21, v7;
	v0 =	vsel vm2, s20, v0;
	v12 =	vld [tilespmem:s25+$0xFFFFFF70]  }
0x47: {  	v17 =	vmin.f32 v26, v17;
	v28 =	vmin.f32 v9, v14;
	v0 =	vsel vm9, s28, v0;
	v15 =	vld [tilespmem:s25+$0xFFFFFF60]  }
0x48: {  	v11 =	vsel vm0, s20, v11;
	v3 =	vsel vm6, s20, v3;
	vm0 =	vlt.f32 v9, v14;
	v26 =	vld [tilespmem:s25+$0xFFFFFF50]  }
0x49: {  	v3 =	vsel vm3, s28, v3;
	v9 =	vsel vm1, s28, v24;
	vm2 =	vlt.f32 v1, v21;
	v1 =	vld [tilespmem:s25+$0x40]  }
0x4a: {  	s23 =	sadd.s32 s26, s17;
	v11 =	vsel vm5, s28, v11;
	v20 =	vsel vm4, s28, v20;
	v7 =	vsel vm2, s20, v7;
	v5 =	vld [tilespmem:s25+$0xFFFFFFC0]  }
0x4b: {  	s22 =	sadd.s32 $0x4, s23;
	s20 =	sadd.s32 $0x6, s23;
	v7 =	vsel vm0, s28, v7;
	v21 =	vld [tilespmem:s25+$0xFFFFFF40];
	vm1 =	vlt.f32 v12, v25;
	v14 =	vmin.f32 v12, v25  }
0x4c: {  	v24 =	vld [tilespmem:s25+$0xFFFFFF30];
	vm2 =	vlt.f32 v15, v6;
	v6 =	vmin.f32 v15, v6;
	v11 =	vsel vm1, s22, v11  }
0x4d: {  	v33 =	vmin.f32 v10, v14;
	v25 =	vld [tilespmem:s25+$0xFFFFFF20];
	vm0 =	vlt.f32 v26, v17;
	v12 =	vmin.f32 v26, v17  }
0x4e: {  	s21 =	sadd.s32 $0x5, s23;
	v26 =	vld [tilespmem:s25+$0xFFFFFF10];
	v15 =	vsel vm0, s22, v20;
	vm1 =	vlt.f32 v27, v12;
	vm0 =	vlt.f32 v34, v33  }
0x4f: {  	v35 =	vmin.f32 v18, v6;
	v17 =	vmin.f32 v27, v12;
	v29 =	vld [tilespmem:s25+$0xFFFFFF00];
	v20 =	vsel vm1, s21, v15  }
0x50: {  	v27 =	vsel vm2, s22, v9;
	vm4 =	vlt.f32 v21, v28;
	v12 =	vmin.f32 v21, v28;
	v36 =	vld [tilespmem:s25+$0xFFFFFF80]  }
0x51: {  	vm6 =	vlt.f32 v18, v6;
	vm2 =	vlt.f32 v24, v13;
	v15 =	vmin.f32 v24, v13;
	v24 =	vld [tilespmem:s25+$0x0]  }
0x52: {  	vm3 =	vlt.f32 v25, v23;
	v18 =	vmin.f32 v25, v23;
	v23 =	vmin.f32 v31, v35;
	v9 =	vld [tilespmem:s25+$0xC0]  }
.Ltmp0:
0x53: {  	vm8 =	vlt.f32 v26, v30;
	v25 =	vmin.f32 v26, v30;
	v6 =	vmin.f32 v22, v23;
	v21 =	vld [tilespmem:s25+$0xF0];
	(pc) =	sbr.rel @p0 .LBB2_3-.Ltmp0, $4  }
0x54: {  	vm1 =	vlt.f32 v22, v23;
	vm9 =	vlt.f32 v29, v16;
	v16 =	vmin.f32 v29, v16;
	v13 =	vld [tilespmem:s25+$0xB0]  }
0x55: {  	v26 =	vsel vm6, s21, v27;
	vm5 =	vlt.f32 v8, v25;
	v28 =	vmin.f32 v36, v16;
	v27 =	vld [tilespmem:s25+$0x10]  }
0x56: {  	vm6 =	vlt.f32 v31, v35;
	vm7 =	vlt.f32 v36, v16;
	v16 =	vmin.f32 v24, v28;
	v23 =	vld [tilespmem:s25+$0x20]  }
0x57: {  	v22 =	vmin.f32 v34, v33;
	v29 =	vsel vm8, s22, v19;
	v30 =	vsel vm9, s22, v32;
	s25 =	sadd.s32 $0x200, s25;
	v19 =	vld [tilespmem:s19+$0x90]  }
0x58: {  	v31 =	vld [tilespmem:s19+$0xFFFFFFB0]  }
0x59: {  	p0 =	seq.s32 s18, $0xF;
	v32 =	vld [tilespmem:s19+$0xD0]  }
0x5a: {  	v33 =	vld [tilespmem:s19+$0x80];
	s24 =	sshll.u32 @!p0 s18, $0x14  }
0x5b: {  	v34 =	vld [tilespmem:s19+$0xA0];
	s24 =	sadd.s32 @!p0 s24, s6  }
0x5c: {  	v8 =	vmin.f32 v8, v25;
	v25 =	vld [tilespmem:s19+$0x30];
	s19 =	simm.s32 @!p0 $0x400;
	s24 =	sshrl.u32 @!p0 s24, $0x3  }
0x5d: {  	vm8 =	vlt.f32 v24, v28;
	v24 =	vsel vm7, s21, v30;
	s25 =	simm.s32 @!p0 $0x4000;
	s26 =	simm.s32 @!p0 $0x0;
	s24 =	sadd.s32 @!p0 s1, s24  }
0x5e: {  	v28 =	vsel vm5, s21, v29;
	v26 =	vsel vm6, s20, v26;
	vm5 =	vlt.f32 v2, v17;
	[tilespmem:s26], [sflag:$0x1] =	stream.strided.gather @!p0 [hbm4b:s24+s19], $0x8000, s25, s19, $0x38;
	[tilespmem:$0x10080] =	vst v63  }
0x5f: {  	v17 =	vmin.f32 v2, v17;
	v0 =	vsel vm2, s22, v0;
	v24 =	vsel vm8, s20, v24;
	_ =	swait.ge [sflag:s13], $0x8000  }
0x60: {  	v20 =	vsel vm5, s20, v20;
	vm8 =	vlt.f32 v4, v18;
	vm7 =	vlt.f32 v27, v8;
	[sflag:s13] =	ssyncset.done $0x0  }
0x61: {  	v8 =	vmin.f32 v27, v8;
	v27 =	vmin.f32 v21, v22;
	v28 =	vsel vm7, s20, v28;
	s19 =	simm.s32 $0x8100;
	[sflag:s13] =	ssyncadd.s32 $0xFFFF8000  }
0x62: {  	vm7 =	vlt.f32 v10, v14;
	v10 =	vmin.f32 v4, v18;
	vm5 =	vlt.f32 v19, v8;
	v2 =	vld [tilespmem:s19+$0xFFFFFFA0]  }
0x63: {  	v14 =	vmin.f32 v19, v8;
	vm6 =	vlt.f32 v23, v10;
	v4 =	vmin.f32 v23, v10;
	v8 =	vld [tilespmem:s19+$0xFFFFFF90]  }
0x64: {  	s23 =	sadd.s32 $0x7, s23;
	v10 =	vsel vm3, s22, v3;
	v11 =	vsel vm7, s21, v11;
	vm7 =	vlt.f32 v5, v12;
	v18 =	vld [tilespmem:s19+$0xE0]  }
0x65: {  	v30 =	vsel vm5, s23, v28;
	v19 =	vmin.f32 v31, v15;
	vm9 =	vlt.f32 v31, v15;
	v31 =	vld [tilespmem:s19+$0x60]  }
0x66: {  	vm5 =	vlt.f32 v21, v22;
	v21 =	vsel vm4, s22, v7;
	vm10 =	vlt.f32 v33, v16;
	v3 =	vld [tilespmem:s19+$0x50]  }
0x67: {  	vm4 =	vlt.f32 v32, v17;
	vm3 =	vlt.f32 v34, v4;
	v15 =	vmin.f32 v5, v12;
	v22 =	vld [tilespmem:s19+$0xFFFFFFE0]  }
0x68: {  	v28 =	vmin.f32 v34, v4;
	v29 =	vmin.f32 v33, v16;
	v7 =	vmin.f32 v25, v19;
	v61 =	vld [tilespmem:s19+$0x70]  }
0x69: {  	v5 =	vsel vm8, s21, v10;
	vm14 =	vlt.f32 v13, v7;
	v23 =	vmin.f32 v13, v7;
	v13 =	vld [tilespmem:s19+$0xFFFFFF70]  }
0x6a: {  	v11 =	vsel vm0, s20, v11;
	vm2 =	vlt.f32 v25, v19;
	v4 =	vmin.f32 v1, v15;
	v19 =	vld [tilespmem:s19+$0xFFFFFF60]  }
0x6b: {  	v10 =	vsel vm7, s21, v21;
	v21 =	vmin.f32 v9, v4;
	vm0 =	vlt.f32 v9, v4;
	v9 =	vld [tilespmem:s19+$0xFFFFFF50]  }
0x6c: {  	v17 =	vmin.f32 v32, v17;
	v24 =	vsel vm10, s23, v24;
	v0 =	vsel vm9, s21, v0;
	v25 =	vld [tilespmem:s19+$0xFFFFFF40]  }
0x6d: {  	v5 =	vsel vm6, s20, v5;
	v20 =	vsel vm4, s23, v20;
	v11 =	vsel vm5, s23, v11;
	v63 =	vld [tilespmem:s19+$0xFFFFFF00]  }
0x6e: {  	v0 =	vsel vm2, s20, v0;
	vm2 =	vlt.f32 v1, v15;
	v5 =	vsel vm3, s23, v5;
	v7 =	vld [tilespmem:s19+$0xFFFFFFF0]  }
0x6f: {  	v15 =	vsel vm1, s23, v26;
	v0 =	vsel vm14, s23, v0;
	v10 =	vsel vm2, s20, v10;
	v26 =	vld [tilespmem:s19+$0xFFFFFF30]  }
0x70: {  	s24 =	sadd.s32 $0xFFFFFFFC, s17;
	v16 =	vld [tilespmem:s19+$0xFFFFFFD0];
	v12 =	vsel vm0, s23, v10;
	vm0 =	vlt.f32 v13, v27;
	v13 =	vmin.f32 v13, v27  }
0x71: {  	s22 =	sadd.s32 $0x104, s24;
	v1 =	vld [tilespmem:s19+$0x40];
	vm1 =	vlt.f32 v19, v6;
	v6 =	vmin.f32 v19, v6;
	vm3 =	vlt.f32 v25, v21  }
0x72: {  	v4 =	vld [tilespmem:s19+$0xFFFFFFC0];
	vm15 =	vlt.f32 v63, v29;
	v10 =	vsel vm0, s22, v11;
	vm0 =	vlt.f32 v9, v17  }
0x73: {  	v27 =	vld [tilespmem:s19+$0xFFFFFF20];
	v9 =	vmin.f32 v9, v17;
	v62 =	vmin.f32 v7, v13;
	v35 =	vmin.f32 v22, v6  }
0x74: {  	v17 =	vld [tilespmem:s19+$0xFFFFFF10];
	v36 =	vsel vm1, s22, v15;
	v15 =	vmin.f32 v26, v23;
	vm6 =	vlt.f32 v22, v6  }
0x75: {  	s21 =	sadd.s32 $0x105, s24;
	v37 =	vld [tilespmem:s19+$0xFFFFFF80];
	v11 =	vsel vm0, s22, v20;
	vm2 =	vlt.f32 v16, v9;
	vm0 =	vlt.f32 v61, v62  }
0x76: {  	v16 =	vmin.f32 v16, v9;
	v22 =	vmin.f32 v31, v35;
	v9 =	vld [tilespmem:s19+$0xC0];
	v19 =	vsel vm2, s21, v11  }
0x77: {  	v11 =	vmin.f32 v25, v21;
	vm2 =	vlt.f32 v26, v23;
	v23 =	vld [tilespmem:s19+$0x0];
	v6 =	vmin.f32 v18, v22  }
0x78: {  	v21 =	vld [tilespmem:s19+$0xF0];
	vm1 =	vlt.f32 v18, v22;
	vm4 =	vlt.f32 v27, v28;
	v20 =	vmin.f32 v27, v28  }
0x79: {  	v22 =	vld [tilespmem:s19+$0x20];
	vm8 =	vlt.f32 v17, v14;
	v25 =	vmin.f32 v17, v14;
	v17 =	vmin.f32 v63, v29  }
0x7a: {  	v27 =	vld [tilespmem:s19+$0x10];
	v29 =	vsel vm6, s21, v36;
	vm6 =	vlt.f32 v31, v35;
	v31 =	vsel vm15, s22, v24  }
0x7b: {  	v26 =	vld [tilespmem:s19+$0x90];
	v24 =	vmin.f32 v61, v62;
	v28 =	vmin.f32 v37, v17;
	vm5 =	vlt.f32 v8, v25  }
0x7c: {  	s25 =	simm.s32 $0x8300;
	s20 =	sadd.s32 $0x106, s24;
	s23 =	simm.s32 $0x0;
	v14 =	vld [tilespmem:s19+$0xB0];
	vm7 =	vlt.f32 v37, v17;
	v30 =	vsel vm8, s22, v30;
	v17 =	vmin.f32 v23, v28  }
.LBB2_5:
0x7d: {  	v32 =	vld [tilespmem:s25+$0xFFFFFFA0];
	v18 =	vsel vm7, s21, v31;
	v8 =	vmin.f32 v8, v25;
	v25 =	vmin.f32 v21, v24;
	s26 =	smov.u32 s23;
	s23 =	sadd.s32 $0x4, s23  }
0x7e: {  	v30 =	vsel vm5, s21, v30;
	vm5 =	vlt.f32 v23, v28;
	v23 =	vsel vm6, s20, v29;
	p0 =	slt.u32 s23, $0xFC;
	v31 =	vld [tilespmem:s19+$0xFFFFFFB0]  }
0x7f: {  	vm7 =	vlt.f32 v3, v16;
	vm6 =	vlt.f32 v27, v8;
	v8 =	vmin.f32 v27, v8;
	v27 =	vld [tilespmem:s19+$0xD0]  }
0x80: {  	v28 =	vsel vm5, s20, v18;
	v19 =	vsel vm7, s20, v19;
	v18 =	vsel vm6, s20, v30;
	v29 =	vld [tilespmem:s19+$0x80]  }
0x81: {  	vm8 =	vlt.f32 v7, v13;
	s28 =	sadd.s32 $0x107, s24;
	vm5 =	vlt.f32 v26, v8;
	v26 =	vmin.f32 v26, v8;
	v7 =	vld [tilespmem:s19+$0xA0]  }
0x82: {  	v13 =	vmin.f32 v2, v20;
	v16 =	vmin.f32 v3, v16;
	v30 =	vld [tilespmem:s19+$0x30];
	v18 =	vsel vm5, s28, v18;
	s19 =	smov.u32 s25  }
0x83: {  	vm6 =	vlt.f32 v22, v13;
	vm5 =	vlt.f32 v21, v24;
	v8 =	vld [tilespmem:s25+$0xFFFFFF90];
	v33 =	vmin.f32 v31, v15  }
0x84: {  	v12 =	vsel vm3, s22, v12;
	vm7 =	vlt.f32 v2, v20;
	v13 =	vmin.f32 v22, v13;
	v2 =	vmovc v32;
	v24 =	vld [tilespmem:s25+$0xE0]  }
0x85: {  	vm9 =	vlt.f32 v31, v15;
	vm3 =	vlt.f32 v27, v16;
	v32 =	vld [tilespmem:s25+$0x60];
	vm10 =	vlt.f32 v29, v17  }
0x86: {  	v5 =	vsel vm4, s22, v5;
	v10 =	vsel vm8, s21, v10;
	v3 =	vld [tilespmem:s25+$0x50];
	vm4 =	vlt.f32 v7, v13  }
0x87: {  	v0 =	vsel vm2, s22, v0;
	v31 =	vsel vm10, s28, v28;
	v20 =	vld [tilespmem:s25+$0xFFFFFFE0];
	v15 =	vmin.f32 v30, v33  }
0x88: {  	v21 =	vmin.f32 v4, v11;
	v0 =	vsel vm9, s21, v0;
	v22 =	vmin.f32 v7, v13;
	v34 =	vld [tilespmem:s25+$0x70]  }
0x89: {  	v17 =	vmin.f32 v29, v17;
	v13 =	vmin.f32 v1, v21;
	vm2 =	vlt.f32 v30, v33;
	v28 =	vld [tilespmem:s25+$0xFFFFFFD0]  }
0x8a: {  	vm8 =	vlt.f32 v4, v11;
	vm9 =	vlt.f32 v14, v15;
	v14 =	vmin.f32 v14, v15;
	v7 =	vld [tilespmem:s25+$0xFFFFFFF0]  }
0x8b: {  	v12 =	vsel vm8, s21, v12;
	v4 =	vsel vm7, s21, v5;
	v0 =	vsel vm2, s20, v0;
	v11 =	vld [tilespmem:s25+$0xFFFFFF70]  }
0x8c: {  	v16 =	vmin.f32 v27, v16;
	v29 =	vmin.f32 v9, v13;
	v0 =	vsel vm9, s28, v0;
	v15 =	vld [tilespmem:s25+$0xFFFFFF60]  }
0x8d: {  	v10 =	vsel vm0, s20, v10;
	v4 =	vsel vm6, s20, v4;
	vm0 =	vlt.f32 v9, v13;
	v27 =	vld [tilespmem:s25+$0xFFFFFF50]  }
0x8e: {  	v5 =	vsel vm4, s28, v4;
	v9 =	vsel vm1, s28, v23;
	vm2 =	vlt.f32 v1, v21;
	v1 =	vld [tilespmem:s25+$0x40]  }
0x8f: {  	s24 =	sadd.s32 s26, s17;
	v10 =	vsel vm5, s28, v10;
	v19 =	vsel vm3, s28, v19;
	v12 =	vsel vm2, s20, v12;
	v4 =	vld [tilespmem:s25+$0xFFFFFFC0]  }
0x90: {  	s22 =	sadd.s32 $0x104, s24;
	s20 =	sadd.s32 $0x106, s24;
	v12 =	vsel vm0, s28, v12;
	v21 =	vld [tilespmem:s25+$0xFFFFFF40];
	vm1 =	vlt.f32 v11, v25;
	v13 =	vmin.f32 v11, v25  }
0x91: {  	v23 =	vld [tilespmem:s25+$0xFFFFFF30];
	vm2 =	vlt.f32 v15, v6;
	v6 =	vmin.f32 v15, v6;
	v10 =	vsel vm1, s22, v10  }
0x92: {  	v33 =	vmin.f32 v7, v13;
	v25 =	vld [tilespmem:s25+$0xFFFFFF20];
	vm0 =	vlt.f32 v27, v16;
	v11 =	vmin.f32 v27, v16  }
0x93: {  	s21 =	sadd.s32 $0x105, s24;
	v27 =	vld [tilespmem:s25+$0xFFFFFF10];
	v15 =	vsel vm0, s22, v19;
	vm1 =	vlt.f32 v28, v11;
	vm0 =	vlt.f32 v34, v33  }
0x94: {  	v35 =	vmin.f32 v20, v6;
	v16 =	vmin.f32 v28, v11;
	v30 =	vld [tilespmem:s25+$0xFFFFFF00];
	v19 =	vsel vm1, s21, v15  }
0x95: {  	vm3 =	vlt.f32 v21, v29;
	v11 =	vmin.f32 v21, v29;
	v29 =	vsel vm2, s22, v9;
	v36 =	vld [tilespmem:s25+$0xFFFFFF80]  }
0x96: {  	vm6 =	vlt.f32 v20, v6;
	vm2 =	vlt.f32 v23, v14;
	v15 =	vmin.f32 v23, v14;
	v23 =	vld [tilespmem:s25+$0x0]  }
0x97: {  	vm4 =	vlt.f32 v25, v22;
	v20 =	vmin.f32 v25, v22;
	v22 =	vmin.f32 v32, v35;
	v9 =	vld [tilespmem:s25+$0xC0]  }
.Ltmp1:
0x98: {  	vm8 =	vlt.f32 v27, v26;
	v25 =	vmin.f32 v27, v26;
	v6 =	vmin.f32 v24, v22;
	v21 =	vld [tilespmem:s25+$0xF0];
	(pc) =	sbr.rel @p0 .LBB2_5-.Ltmp1, $4  }
0x99: {  	vm1 =	vlt.f32 v24, v22;
	vm9 =	vlt.f32 v30, v17;
	v17 =	vmin.f32 v30, v17;
	v14 =	vld [tilespmem:s25+$0xB0]  }
0x9a: {  	v29 =	vsel vm6, s21, v29;
	vm5 =	vlt.f32 v8, v25;
	v28 =	vmin.f32 v36, v17;
	v27 =	vld [tilespmem:s25+$0x10]  }
0x9b: {  	vm6 =	vlt.f32 v32, v35;
	vm7 =	vlt.f32 v36, v17;
	v17 =	vmin.f32 v23, v28;
	v22 =	vld [tilespmem:s25+$0x20]  }
0x9c: {  	v24 =	vmin.f32 v34, v33;
	v30 =	vsel vm8, s22, v18;
	v31 =	vsel vm9, s22, v31;
	s25 =	sadd.s32 $0x200, s25;
	v26 =	vld [tilespmem:s19+$0x90]  }
0x9d: {  	v31 =	vsel vm7, s21, v31  }
0x9e: {  	v8 =	vmin.f32 v8, v25;
	v18 =	vmin.f32 v21, v24;
	v57 =	vsel vm5, s21, v30  }
0x9f: {  	vm9 =	vlt.f32 v23, v28;
	v23 =	vsel vm6, s20, v29;
	vm11 =	vlt.f32 v3, v16  }
0xa0: {  	v58 =	vld [tilespmem:s19+$0xFFFFFFB0];
	vm12 =	vlt.f32 v7, v13;
	v3 =	vmin.f32 v3, v16;
	vm5 =	vlt.f32 v21, v24  }
0xa1: {  	v59 =	vld [tilespmem:s19+$0xD0];
	v12 =	vsel vm3, s22, v12;
	vm14 =	vlt.f32 v2, v20;
	v5 =	vsel vm4, s22, v5  }
0xa2: {  	v61 =	vld [tilespmem:s19+$0x80];
	v0 =	vsel vm2, s22, v0;
	v63 =	vmin.f32 v4, v11;
	v28 =	vsel vm9, s20, v31  }
0xa3: {  	v7 =	vld [tilespmem:s19+$0xA0];
	v60 =	vsel vm11, s20, v19;
	vm10 =	vlt.f32 v27, v8;
	v8 =	vmin.f32 v27, v8  }
0xa4: {  	s23 =	sadd.s32 $0x107, s24;
	v62 =	vld [tilespmem:s19+$0x30];
	v25 =	vsel vm10, s20, v57;
	vm13 =	vlt.f32 v26, v8;
	v13 =	vmin.f32 v26, v8  }
0xa5: {  	v8 =	vmin.f32 v2, v20;
	v19 =	vsel vm13, s23, v25;
	v16 =	vmin.f32 v58, v15  }
0xa6: {  	vm7 =	vlt.f32 v22, v8;
	v2 =	vmin.f32 v22, v8;
	vm8 =	vlt.f32 v58, v15  }
0xa7: {  	vm9 =	vlt.f32 v61, v17;
	vm10 =	vlt.f32 v59, v3;
	v8 =	vsel vm12, s21, v10  }
0xa8: {  	vm12 =	vlt.f32 v4, v11;
	v4 =	vsel vm14, s21, v5;
	v20 =	vmin.f32 v59, v3  }
0xa9: {  	vm4 =	vlt.f32 v7, v2;
	v10 =	vmin.f32 v62, v16;
	v22 =	vsel vm9, s23, v28  }
0xaa: {  	s18 =	sadd.s32 $0x1, s18;
	v0 =	vsel vm8, s21, v0;
	v21 =	vmin.f32 v7, v2;
	vm15 =	vlt.f32 v62, v16  }
0xab: {  	p0 =	sne.s32 s18, $0x10;
	v2 =	vmin.f32 v1, v63;
	v16 =	vmin.f32 v61, v17;
	v5 =	vsel vm12, s21, v12  }
.Ltmp2:
0xac: {  	v3 =	vsel vm7, s20, v4;
	v4 =	vsel vm0, s20, v8;
	v17 =	vsel vm10, s23, v60;
	(pc) =	sbr.rel @p0 .LBB2_2-.Ltmp2, $4  }
0xad: {  	vm13 =	vlt.f32 v14, v10;
	v15 =	vmin.f32 v14, v10;
	v0 =	vsel vm15, s20, v0  }
0xae: {  	v12 =	vmin.f32 v9, v2;
	vm14 =	vlt.f32 v9, v2;
	vm15 =	vlt.f32 v1, v63  }
0xaf: {  	v3 =	vsel vm4, s23, v3;
	v9 =	vsel vm1, s23, v23;
	v1 =	vsel vm15, s20, v5  }
0xb0: {  	s17 =	sadd.s32 $0x200, s17;
	v11 =	vsel vm5, s23, v4;
	v0 =	vsel vm13, s23, v0;
	v7 =	vsel vm14, s23, v1  }
0xb1: {  	[tilespmem:$0x10000] =	vst v22  }
0xb2: {  	[tilespmem:$0x10010] =	vst v19  }
0xb3: {  	[tilespmem:$0x10020] =	vst v3  }
0xb4: {  	[tilespmem:$0x10030] =	vst v0  }
0xb5: {  	[tilespmem:$0x10040] =	vst v7  }
0xb6: {  	[tilespmem:$0x10050] =	vst v17;
	s16 =	sadd.s32 $0x1, s16  }
0xb7: {  	[tilespmem:$0x10060] =	vst v9;
	p0 =	sne.s32 s16, s8  }
.Ltmp3:
0xb8: {  	[tilespmem:$0x10070] =	vst v11;
	(pc) =	sbr.rel @p0 .LBB2_1-.Ltmp3, $4  }
0xb9: {  	[hbm4b:s7+s2] =	stream.linear.scatter [tilespmem:s14], [sflag:$0x3], $0x80, $0x38;
	[tilespmem:$0x10080] =	vst v63  }
0xba: {  	_ =	swait.ge [sflag:s15], $0x80  }
0xbb: {  	[sflag:s15] =	ssyncset.done $0x0  }
0xbc: {  	[sflag:s15] =	ssyncadd.s32 $0xFFFFFF80  }
0xbd: {  	_ =	sfence.sel $0x180000  }
0xbe: {  	[bflag:$0x0] =	sbarrier.arrive $0xFFFF  }
0xbf: {  	p0 =	sne.s32 s3, $0x0;
	_ =	strace $0x90000047  }
0xc0: {  	s0 =	sadd.s32 @!p0 $0x100000, s0;
	[bflag:$0x2] =	sbarrier.arrive $0xFFFF  }
0xc1: {  	[sflag:s0] =	ssyncadd.tile.s32 @!p0 $0x1;
	_ =	shalt  }
.Lfunc_end2:
_tile_overlayer_lowered:
.L_overlay_start_2:
0xc2: {  	(tag) =	ssettag $0x2  }
0xc3: {  	s0 =	rddreg [dreg:$0x0];
	s2 =	stileid.u32  }
0xc4: {  	s1 =	rddreg [dreg:$0x1];
	p0 =	sne.s32 s2, $0x0  }
0xc5: {  	s3 =	rddreg [dreg:$0x2];
	[bflag:$0x3] =	sbarrier.arrive $0xFFFF;
	s2 =	simm.s32 @!p0 $0x1C03  }
0xc6: {  	[timem:s3], [sflag:s2] =	dma.local @!p0 [hbm:s0], s1  }
0xc7: {  	s0 =	simm.s32 @!p0 $0x3  }
0xc8: {  	_ =	swait.ge @!p0 [sflag:s0], s1  }
0xc9: {  	s1 =	ssub.s32 @!p0 $0x0, s1;
	[sflag:s0] =	ssyncset.done @!p0 $0x0  }
0xca: {  	[sflag:s0] =	ssyncadd.s32 @!p0 s1  }
0xcb: {  	[bflag:$0x3] =	sbarrier.arrive $0xFFFF  }
0xcc: {  	_ =	shalt  }

</sc_bundles>
